<compile_context>
chip_gen: v7x
topology: tpu7x:2x2x1
jax: 0.10.2.dev20260603
libtpu: 0.0.44.dev20260713+nightly
codegen_flags: <defaults>
</compile_context>

<pallas_src>
import functools

import jax
import jax.numpy as jnp
from jax import lax
from jax.experimental import pallas as pl
from jax.experimental.pallas import tpu as pltpu
from jax.experimental.pallas import tpu_sc as plsc

_B, _S = 4, 2048
_N = _B * _S
_HIDDEN = 768
_DDIM = 128
_NW = 32
_WCHUNK = 64
_EPS = 1e-12

_SLICE_ROWS = (3, 1)

_TOK_BLK = 2048
_S_BLKS = _S // _TOK_BLK


def _sc_gather_slice(word_ids, domain_ids, word_emb, domain_emb, off, ntok):
    mesh = plsc.VectorSubcoreMesh(core_axis_name="c", subcore_axis_name="s")
    tpw = ntok // _NW
    wchunk = min(_WCHUNK, tpw // 2)
    nw = tpw // wchunk
    dchunk = tpw // 2

    @functools.partial(
        pl.kernel,
        out_type=[
            jax.ShapeDtypeStruct((ntok, _HIDDEN), jnp.float32),
            jax.ShapeDtypeStruct((ntok, _DDIM), jnp.float32),
        ],
        mesh=mesh,
        scratch_types=[
            pltpu.VMEM((tpw,), jnp.int32),
            pltpu.VMEM((tpw,), jnp.int32),
            pltpu.VMEM((wchunk, _HIDDEN), jnp.float32),
            pltpu.VMEM((wchunk, _HIDDEN), jnp.float32),
            pltpu.VMEM((dchunk, _DDIM), jnp.float32),
            pltpu.SemaphoreType.DMA,
            pltpu.SemaphoreType.DMA,
            pltpu.SemaphoreType.DMA,
            pltpu.SemaphoreType.DMA,
            pltpu.SemaphoreType.DMA,
            pltpu.SemaphoreType.DMA,
            pltpu.SemaphoreType.DMA,
        ],
    )
    def k(wids_hbm, dids_hbm, wtab_hbm, dtab_hbm, ow_hbm, od_hbm,
          widx_v, didx_v, wb0, wb1, db, sI, sW0, sW1, sC0, sC1, sD, sCD):
        wid = lax.axis_index("s") * 2 + lax.axis_index("c")
        obase = wid * tpw
        base = off + obase
        wb = (wb0, wb1)
        sW = (sW0, sW1)
        sC = (sC0, sC1)
        ci0 = pltpu.async_copy(wids_hbm.at[pl.ds(base, tpw)], widx_v, sI)
        ci1 = pltpu.async_copy(dids_hbm.at[pl.ds(base, tpw)], didx_v, sI)
        ci0.wait()
        ci1.wait()
        g = [None] * nw
        co = [None] * nw
        g[0] = pltpu.async_copy(
            wtab_hbm.at[widx_v.at[pl.ds(0, wchunk)]], wb[0], sW[0])
        g[1] = pltpu.async_copy(
            wtab_hbm.at[widx_v.at[pl.ds(wchunk, wchunk)]], wb[1], sW[1])
        gd = pltpu.async_copy(dtab_hbm.at[didx_v.at[pl.ds(0, dchunk)]], db, sD)
        g[0].wait()
        co[0] = pltpu.async_copy(wb[0], ow_hbm.at[pl.ds(obase, wchunk)], sC[0])
        g[1].wait()
        co[1] = pltpu.async_copy(
            wb[1], ow_hbm.at[pl.ds(obase + wchunk, wchunk)], sC[1])
        for c in range(2, nw):
            co[c - 2].wait()
            g[c] = pltpu.async_copy(
                wtab_hbm.at[widx_v.at[pl.ds(c * wchunk, wchunk)]],
                wb[c % 2], sW[c % 2])
        gd.wait()
        cd0 = pltpu.async_copy(db, od_hbm.at[pl.ds(obase, dchunk)], sCD)
        for c in range(2, nw):
            g[c].wait()
            co[c] = pltpu.async_copy(
                wb[c % 2], ow_hbm.at[pl.ds(obase + c * wchunk, wchunk)],
                sC[c % 2])
        cd0.wait()
        gd1 = pltpu.async_copy(
            dtab_hbm.at[didx_v.at[pl.ds(dchunk, dchunk)]], db, sD)
        gd1.wait()
        cd1 = pltpu.async_copy(db, od_hbm.at[pl.ds(obase + dchunk, dchunk)],
                               sCD)
        for c in range(max(nw - 2, 0), nw):
            co[c].wait()
        cd1.wait()

    return k(word_ids, domain_ids, word_emb, domain_emb)


def _tc_body(gw_ref, gd_ref, pos_ref, cr_ref, w_ref, g_ref, bb_ref, o_ref):
    proj = lax.dot_general(
        gd_ref[...], w_ref[...], (((1,), (0,)), ((), ())),
        precision=lax.Precision.DEFAULT, preferred_element_type=jnp.float32)
    e = gw_ref[...] + proj + pos_ref[...] + cr_ref[0, :][None, :]
    mean = jnp.mean(e, axis=1, keepdims=True)
    c = e - mean
    var = jnp.mean(c * c, axis=1, keepdims=True)
    o_ref[...] = (c * lax.rsqrt(var + _EPS)) * g_ref[0, :][None, :] \
        + bb_ref[0, :][None, :]


def _tc_body_alias(gw_ref, gd_ref, pos_ref, cr_ref, w_ref, g_ref, bb_ref,
                   prev_ref, o_ref):
    _tc_body(gw_ref, gd_ref, pos_ref, cr_ref, w_ref, g_ref, bb_ref, o_ref)


def _tc_fuse_slice(gw, gd, pos_emb, const_row, W_proj, ln_gamma, ln_beta,
                   boff, nrows, prev=None):
    in_specs = [
        pl.BlockSpec((_TOK_BLK, _HIDDEN), lambda i, j: (j * _S_BLKS + i, 0)),
        pl.BlockSpec((_TOK_BLK, _DDIM), lambda i, j: (j * _S_BLKS + i, 0)),
        pl.BlockSpec((_TOK_BLK, _HIDDEN), lambda i, j: (i, 0)),
        pl.BlockSpec((1, _HIDDEN), lambda i, j: (0, 0)),
        pl.BlockSpec((_DDIM, _HIDDEN), lambda i, j: (0, 0)),
        pl.BlockSpec((1, _HIDDEN), lambda i, j: (0, 0)),
        pl.BlockSpec((1, _HIDDEN), lambda i, j: (0, 0)),
    ]
    args = [gw, gd, pos_emb, const_row, W_proj, ln_gamma, ln_beta]
    kwargs = {}
    body = _tc_body
    if prev is not None:
        in_specs.append(pl.BlockSpec(memory_space=pl.ANY))
        args.append(prev)
        kwargs["input_output_aliases"] = {7: 0}
        body = _tc_body_alias
    return pl.pallas_call(
        body,
        grid=(_S_BLKS, nrows),
        in_specs=in_specs,
        out_specs=pl.BlockSpec(
            (_TOK_BLK, _HIDDEN),
            lambda i, j: ((boff + j) * _S_BLKS + i, 0)),
        out_shape=jax.ShapeDtypeStruct((_N, _HIDDEN), jnp.float32),
        **kwargs,
    )(*args)


def kernel(input_ids, domain_ids, word_emb, domain_emb, pos_emb, type_emb,
           W_proj, b_proj, ln_gamma, ln_beta):
    wids = input_ids.reshape(-1).astype(jnp.int32)
    dids = domain_ids.reshape(-1).astype(jnp.int32)
    const_row = (type_emb[0] + b_proj)[None, :]
    gamma = ln_gamma[None, :]
    beta = ln_beta[None, :]
    gs = []
    row0 = 0
    for nrows in _SLICE_ROWS:
        gs.append(_sc_gather_slice(wids, dids, word_emb, domain_emb,
                                   row0 * _S, nrows * _S))
        row0 += nrows
    out = None
    row0 = 0
    for (gw, gd), nrows in zip(gs, _SLICE_ROWS):
        out = _tc_fuse_slice(gw, gd, pos_emb, const_row, W_proj, gamma, beta,
                             boff=row0, nrows=nrows, prev=out)
        row0 += nrows
    return out.reshape(_B, _S, _HIDDEN)

# --- scband reference (transcript-rebuilt; emitter-appended) ---
"""Pipeline reference for scband-domain-embedding-layer-57097295233197 (READ-ONLY COPY).

The authoritative reference and input builder live on the scoring server;
editing this copy changes nothing except your own understanding.
"""

import jax, jax.numpy as jnp
import numpy as np

VOCAB = 100000
HIDDEN = 768
MAX_POS = 2048
TYPE_VOCAB = 2
DOMAIN_VOCAB = 50000
DOMAIN_DIM = 128
B, S = 4, 2048
EPS = 1e-12


def setup_inputs(seed: int = 0) -> dict:
    key = jax.random.key(seed)
    ks = jax.random.split(key, 8)
    input_ids = jax.random.randint(ks[0], (B, S), 0, VOCAB, dtype=jnp.int64 if jax.config.jax_enable_x64 else jnp.int32)
    domain_ids = jax.random.randint(ks[1], (B, S), 0, DOMAIN_VOCAB, dtype=jnp.int64 if jax.config.jax_enable_x64 else jnp.int32)
    word_emb = jax.random.normal(ks[2], (VOCAB, HIDDEN), dtype=jnp.float32) * 0.02
    domain_emb = jax.random.normal(ks[3], (DOMAIN_VOCAB, DOMAIN_DIM), dtype=jnp.float32) * 0.02
    pos_emb = jax.random.normal(ks[4], (MAX_POS, HIDDEN), dtype=jnp.float32) * 0.02
    type_emb = jax.random.normal(ks[5], (TYPE_VOCAB, HIDDEN), dtype=jnp.float32) * 0.02
    W_proj = jax.random.normal(ks[6], (DOMAIN_DIM, HIDDEN), dtype=jnp.float32) * (1.0 / np.sqrt(DOMAIN_DIM))
    b_proj = jnp.zeros((HIDDEN,), dtype=jnp.float32)
    ln_gamma = jnp.ones((HIDDEN,), dtype=jnp.float32)
    ln_beta = jnp.zeros((HIDDEN,), dtype=jnp.float32)
    return {
        "input_ids": input_ids,
        "domain_ids": domain_ids,
        "word_emb": word_emb,
        "domain_emb": domain_emb,
        "pos_emb": pos_emb,
        "type_emb": type_emb,
        "W_proj": W_proj,
        "b_proj": b_proj,
        "ln_gamma": ln_gamma,
        "ln_beta": ln_beta,
    }


def reference(input_ids, domain_ids, word_emb, domain_emb, pos_emb, type_emb, W_proj, b_proj, ln_gamma, ln_beta):
    # token_type_ids default: zeros; position_ids default: arange broadcast
    token_type_ids = jnp.zeros_like(input_ids)
    seq_len = input_ids.shape[1]
    position_ids = jnp.broadcast_to(jnp.arange(seq_len, dtype=input_ids.dtype)[None, :], input_ids.shape)

    words_embeds = jnp.take(word_emb, input_ids, axis=0)
    domain_embeds = jnp.take(domain_emb, domain_ids, axis=0)
    token_type_embeds = jnp.take(type_emb, token_type_ids, axis=0)
    position_embeds = jnp.take(pos_emb, position_ids, axis=0)

    domain_projected = jnp.einsum('bsd,dh->bsh', domain_embeds, W_proj) + b_proj
    embeddings = words_embeds + domain_projected + token_type_embeds + position_embeds

    mean = jnp.mean(embeddings, axis=-1, keepdims=True)
    var = jnp.mean(jnp.square(embeddings - mean), axis=-1, keepdims=True)
    normed = (embeddings - mean) / jnp.sqrt(var + EPS)
    out = normed * ln_gamma + ln_beta
    # dropout is identity in eval mode
    return out

if __name__ == "__main__":
    import jax
    _d = setup_inputs()
    print(jax.jit(kernel)(*tuple(_d.values())))

</pallas_src>

<mosaic_0001>
#map = affine_map<(d0, d1) -> (0)>
#map1 = affine_map<(d0, d1) -> (0, 0)>
module attributes {stable_mosaic.version = 14 : i64} {
  func.func @k(%arg0: i32, %arg1: i32, %arg2: memref<8192xi32, #tpu.memory_space<hbm>>, %arg3: memref<8192xi32, #tpu.memory_space<hbm>>, %arg4: memref<100000x768xf32, #tpu.memory_space<hbm>>, %arg5: memref<50000x128xf32, #tpu.memory_space<hbm>>, %arg6: memref<6144x768xf32, #tpu.memory_space<hbm>>, %arg7: memref<6144x128xf32, #tpu.memory_space<hbm>>, %arg8: memref<192xi32, #tpu.memory_space<vmem>>, %arg9: memref<192xi32, #tpu.memory_space<vmem>>, %arg10: memref<64x768xf32, #tpu.memory_space<vmem>>, %arg11: memref<64x768xf32, #tpu.memory_space<vmem>>, %arg12: memref<96x128xf32, #tpu.memory_space<vmem>>, %arg13: memref<!tpu.dma_semaphore, #tpu.memory_space<semaphore_mem>>, %arg14: memref<!tpu.dma_semaphore, #tpu.memory_space<semaphore_mem>>, %arg15: memref<!tpu.dma_semaphore, #tpu.memory_space<semaphore_mem>>, %arg16: memref<!tpu.dma_semaphore, #tpu.memory_space<semaphore_mem>>, %arg17: memref<!tpu.dma_semaphore, #tpu.memory_space<semaphore_mem>>, %arg18: memref<!tpu.dma_semaphore, #tpu.memory_space<semaphore_mem>>, %arg19: memref<!tpu.dma_semaphore, #tpu.memory_space<semaphore_mem>>) attributes {dimension_semantics = [#tpu.dimension_semantics<core_parallel>, #tpu.dimension_semantics<subcore_parallel>], iteration_bounds = array<i64: 2, 16>, scalar_prefetch = 0 : i64, scratch_operands = 12 : i64, tpu.core_type = #tpu.core_type<sc_vector_subcore>, window_params = [{transform_indices = #map}, {transform_indices = #map}, {transform_indices = #map1}, {transform_indices = #map1}, {transform_indices = #map1}, {transform_indices = #map1}]} {
    %mul3A = arith.constant 2 : i32
    %mul3A_0 = arith.muli %arg1, %mul3A : i32
    %add3A = arith.addi %mul3A_0, %arg0 : i32
    %mul3A_1 = arith.constant 192 : i32
    %mul3A_2 = arith.muli %add3A, %mul3A_1 : i32
    %add3A_3 = arith.constant 0 : i32
    %add3A_4 = arith.addi %add3A_3, %mul3A_2 : i32
    %dma_start3A = tpu.memref_slice %arg2[%add3A_4] : memref<8192xi32, #tpu.memory_space<hbm>> -> memref<192xi32, #tpu.memory_space<hbm>>
    %dma_start3A_5 = tpu.memref_slice %arg2[%add3A_4] : memref<8192xi32, #tpu.memory_space<hbm>> -> memref<192xi32, #tpu.memory_space<hbm>>
    tpu.enqueue_dma source(%dma_start3A_5 : memref<192xi32, #tpu.memory_space<hbm>>) target(%arg8 : memref<192xi32, #tpu.memory_space<vmem>>) target_semaphore(%arg13 : memref<!tpu.dma_semaphore, #tpu.memory_space<semaphore_mem>>)
    %dma_start3A_6 = tpu.memref_slice %arg3[%add3A_4] : memref<8192xi32, #tpu.memory_space<hbm>> -> memref<192xi32, #tpu.memory_space<hbm>>
    %dma_start3A_7 = tpu.memref_slice %arg3[%add3A_4] : memref<8192xi32, #tpu.memory_space<hbm>> -> memref<192xi32, #tpu.memory_space<hbm>>
    tpu.enqueue_dma source(%dma_start3A_7 : memref<192xi32, #tpu.memory_space<hbm>>) target(%arg9 : memref<192xi32, #tpu.memory_space<vmem>>) target_semaphore(%arg13 : memref<!tpu.dma_semaphore, #tpu.memory_space<semaphore_mem>>)
    %dma_wait3A = tpu.memref_slice %arg2[%add3A_4] : memref<8192xi32, #tpu.memory_space<hbm>> -> memref<192xi32, #tpu.memory_space<hbm>>
    %dma_wait3A_8 = tpu.memref_slice %arg2[%add3A_4] : memref<8192xi32, #tpu.memory_space<hbm>> -> memref<192xi32, #tpu.memory_space<hbm>>
    tpu.wait_dma2 semaphore(%arg13 : memref<!tpu.dma_semaphore, #tpu.memory_space<semaphore_mem>>) src(%dma_wait3A_8 : memref<192xi32, #tpu.memory_space<hbm>>) dst(%arg8 : memref<192xi32, #tpu.memory_space<vmem>>)
    %dma_wait3A_9 = tpu.memref_slice %arg3[%add3A_4] : memref<8192xi32, #tpu.memory_space<hbm>> -> memref<192xi32, #tpu.memory_space<hbm>>
    %dma_wait3A_10 = tpu.memref_slice %arg3[%add3A_4] : memref<8192xi32, #tpu.memory_space<hbm>> -> memref<192xi32, #tpu.memory_space<hbm>>
    tpu.wait_dma2 semaphore(%arg13 : memref<!tpu.dma_semaphore, #tpu.memory_space<semaphore_mem>>) src(%dma_wait3A_10 : memref<192xi32, #tpu.memory_space<hbm>>) dst(%arg9 : memref<192xi32, #tpu.memory_space<vmem>>)
    %dma_start3A_11 = arith.constant 0 : i32
    %dma_start3A_12 = tpu.memref_slice %arg8[%dma_start3A_11] : memref<192xi32, #tpu.memory_space<vmem>> -> memref<64xi32, #tpu.memory_space<vmem>>
    %dma_start3A_13 = arith.constant 0 : i32
    %dma_start3A_14 = arith.constant 0 : i32
    %dma_start3A_15 = tpu.memref_slice %arg4[%dma_start3A_13, %dma_start3A_14] : memref<100000x768xf32, #tpu.memory_space<hbm>> -> memref<100000x768xf32, #tpu.memory_space<hbm>>
    tpu.enqueue_indirect_dma source(%dma_start3A_15 : memref<100000x768xf32, #tpu.memory_space<hbm>>) target(%arg10 : memref<64x768xf32, #tpu.memory_space<vmem>>) offsets(%dma_start3A_12 : memref<64xi32, #tpu.memory_space<vmem>>) semaphore(%arg14 : memref<!tpu.dma_semaphore, #tpu.memory_space<semaphore_mem>>)
    %dma_start3A_16 = arith.constant 64 : i32
    %dma_start3A_17 = tpu.memref_slice %arg8[%dma_start3A_16] : memref<192xi32, #tpu.memory_space<vmem>> -> memref<64xi32, #tpu.memory_space<vmem>>
    %dma_start3A_18 = arith.constant 0 : i32
    %dma_start3A_19 = arith.constant 0 : i32
    %dma_start3A_20 = tpu.memref_slice %arg4[%dma_start3A_18, %dma_start3A_19] : memref<100000x768xf32, #tpu.memory_space<hbm>> -> memref<100000x768xf32, #tpu.memory_space<hbm>>
    tpu.enqueue_indirect_dma source(%dma_start3A_20 : memref<100000x768xf32, #tpu.memory_space<hbm>>) target(%arg11 : memref<64x768xf32, #tpu.memory_space<vmem>>) offsets(%dma_start3A_17 : memref<64xi32, #tpu.memory_space<vmem>>) semaphore(%arg15 : memref<!tpu.dma_semaphore, #tpu.memory_space<semaphore_mem>>)
    %dma_start3A_21 = arith.constant 0 : i32
    %dma_start3A_22 = tpu.memref_slice %arg9[%dma_start3A_21] : memref<192xi32, #tpu.memory_space<vmem>> -> memref<96xi32, #tpu.memory_space<vmem>>
    %dma_start3A_23 = arith.constant 0 : i32
    %dma_start3A_24 = arith.constant 0 : i32
    %dma_start3A_25 = tpu.memref_slice %arg5[%dma_start3A_23, %dma_start3A_24] : memref<50000x128xf32, #tpu.memory_space<hbm>> -> memref<50000x128xf32, #tpu.memory_space<hbm>>
    tpu.enqueue_indirect_dma source(%dma_start3A_25 : memref<50000x128xf32, #tpu.memory_space<hbm>>) target(%arg12 : memref<96x128xf32, #tpu.memory_space<vmem>>) offsets(%dma_start3A_22 : memref<96xi32, #tpu.memory_space<vmem>>) semaphore(%arg18 : memref<!tpu.dma_semaphore, #tpu.memory_space<semaphore_mem>>)
    %dma_wait3A_26 = arith.constant 0 : i32
    %dma_wait3A_27 = tpu.memref_slice %arg8[%dma_wait3A_26] : memref<192xi32, #tpu.memory_space<vmem>> -> memref<64xi32, #tpu.memory_space<vmem>>
    %dma_wait3A_28 = arith.constant 0 : i32
    %dma_wait3A_29 = arith.constant 0 : i32
    %dma_wait3A_30 = tpu.memref_slice %arg4[%dma_wait3A_28, %dma_wait3A_29] : memref<100000x768xf32, #tpu.memory_space<hbm>> -> memref<100000x768xf32, #tpu.memory_space<hbm>>
    tpu.wait_indirect_dma semaphore(%arg14 : memref<!tpu.dma_semaphore, #tpu.memory_space<semaphore_mem>>) src(%dma_wait3A_30 : memref<100000x768xf32, #tpu.memory_space<hbm>>) dst(%arg10 : memref<64x768xf32, #tpu.memory_space<vmem>>)
    %dma_start3A_31 = arith.constant 0 : i32
    %dma_start3A_32 = tpu.memref_slice %arg6[%mul3A_2, %dma_start3A_31] : memref<6144x768xf32, #tpu.memory_space<hbm>> -> memref<64x768xf32, #tpu.memory_space<hbm>>
    %dma_start3A_33 = arith.constant 0 : i32
    %dma_start3A_34 = tpu.memref_slice %arg6[%mul3A_2, %dma_start3A_33] : memref<6144x768xf32, #tpu.memory_space<hbm>> -> memref<64x768xf32, #tpu.memory_space<hbm>>
    tpu.enqueue_dma source(%arg10 : memref<64x768xf32, #tpu.memory_space<vmem>>) target(%dma_start3A_34 : memref<64x768xf32, #tpu.memory_space<hbm>>) target_semaphore(%arg16 : memref<!tpu.dma_semaphore, #tpu.memory_space<semaphore_mem>>)
    %dma_wait3A_35 = arith.constant 64 : i32
    %dma_wait3A_36 = tpu.memref_slice %arg8[%dma_wait3A_35] : memref<192xi32, #tpu.memory_space<vmem>> -> memref<64xi32, #tpu.memory_space<vmem>>
    %dma_wait3A_37 = arith.constant 0 : i32
    %dma_wait3A_38 = arith.constant 0 : i32
    %dma_wait3A_39 = tpu.memref_slice %arg4[%dma_wait3A_37, %dma_wait3A_38] : memref<100000x768xf32, #tpu.memory_space<hbm>> -> memref<100000x768xf32, #tpu.memory_space<hbm>>
    tpu.wait_indirect_dma semaphore(%arg15 : memref<!tpu.dma_semaphore, #tpu.memory_space<semaphore_mem>>) src(%dma_wait3A_39 : memref<100000x768xf32, #tpu.memory_space<hbm>>) dst(%arg11 : memref<64x768xf32, #tpu.memory_space<vmem>>)
    %add3A_40 = arith.constant 64 : i32
    %add3A_41 = arith.addi %mul3A_2, %add3A_40 : i32
    %dma_start3A_42 = arith.constant 0 : i32
    %dma_start3A_43 = tpu.memref_slice %arg6[%add3A_41, %dma_start3A_42] : memref<6144x768xf32, #tpu.memory_space<hbm>> -> memref<64x768xf32, #tpu.memory_space<hbm>>
    %dma_start3A_44 = arith.constant 0 : i32
    %dma_start3A_45 = tpu.memref_slice %arg6[%add3A_41, %dma_start3A_44] : memref<6144x768xf32, #tpu.memory_space<hbm>> -> memref<64x768xf32, #tpu.memory_space<hbm>>
    tpu.enqueue_dma source(%arg11 : memref<64x768xf32, #tpu.memory_space<vmem>>) target(%dma_start3A_45 : memref<64x768xf32, #tpu.memory_space<hbm>>) target_semaphore(%arg17 : memref<!tpu.dma_semaphore, #tpu.memory_space<semaphore_mem>>)
    %dma_wait3A_46 = arith.constant 0 : i32
    %dma_wait3A_47 = tpu.memref_slice %arg6[%mul3A_2, %dma_wait3A_46] : memref<6144x768xf32, #tpu.memory_space<hbm>> -> memref<64x768xf32, #tpu.memory_space<hbm>>
    %dma_wait3A_48 = arith.constant 0 : i32
    %dma_wait3A_49 = tpu.memref_slice %arg6[%mul3A_2, %dma_wait3A_48] : memref<6144x768xf32, #tpu.memory_space<hbm>> -> memref<64x768xf32, #tpu.memory_space<hbm>>
    tpu.wait_dma2 semaphore(%arg16 : memref<!tpu.dma_semaphore, #tpu.memory_space<semaphore_mem>>) src(%arg10 : memref<64x768xf32, #tpu.memory_space<vmem>>) dst(%dma_wait3A_49 : memref<64x768xf32, #tpu.memory_space<hbm>>)
    %dma_start3A_50 = arith.constant 128 : i32
    %dma_start3A_51 = tpu.memref_slice %arg8[%dma_start3A_50] : memref<192xi32, #tpu.memory_space<vmem>> -> memref<64xi32, #tpu.memory_space<vmem>>
    %dma_start3A_52 = arith.constant 0 : i32
    %dma_start3A_53 = arith.constant 0 : i32
    %dma_start3A_54 = tpu.memref_slice %arg4[%dma_start3A_52, %dma_start3A_53] : memref<100000x768xf32, #tpu.memory_space<hbm>> -> memref<100000x768xf32, #tpu.memory_space<hbm>>
    tpu.enqueue_indirect_dma source(%dma_start3A_54 : memref<100000x768xf32, #tpu.memory_space<hbm>>) target(%arg10 : memref<64x768xf32, #tpu.memory_space<vmem>>) offsets(%dma_start3A_51 : memref<64xi32, #tpu.memory_space<vmem>>) semaphore(%arg14 : memref<!tpu.dma_semaphore, #tpu.memory_space<semaphore_mem>>)
    %dma_wait3A_55 = arith.constant 0 : i32
    %dma_wait3A_56 = tpu.memref_slice %arg9[%dma_wait3A_55] : memref<192xi32, #tpu.memory_space<vmem>> -> memref<96xi32, #tpu.memory_space<vmem>>
    %dma_wait3A_57 = arith.constant 0 : i32
    %dma_wait3A_58 = arith.constant 0 : i32
    %dma_wait3A_59 = tpu.memref_slice %arg5[%dma_wait3A_57, %dma_wait3A_58] : memref<50000x128xf32, #tpu.memory_space<hbm>> -> memref<50000x128xf32, #tpu.memory_space<hbm>>
    tpu.wait_indirect_dma semaphore(%arg18 : memref<!tpu.dma_semaphore, #tpu.memory_space<semaphore_mem>>) src(%dma_wait3A_59 : memref<50000x128xf32, #tpu.memory_space<hbm>>) dst(%arg12 : memref<96x128xf32, #tpu.memory_space<vmem>>)
    %dma_start3A_60 = arith.constant 0 : i32
    %dma_start3A_61 = tpu.memref_slice %arg7[%mul3A_2, %dma_start3A_60] : memref<6144x128xf32, #tpu.memory_space<hbm>> -> memref<96x128xf32, #tpu.memory_space<hbm>>
    %dma_start3A_62 = arith.constant 0 : i32
    %dma_start3A_63 = tpu.memref_slice %arg7[%mul3A_2, %dma_start3A_62] : memref<6144x128xf32, #tpu.memory_space<hbm>> -> memref<96x128xf32, #tpu.memory_space<hbm>>
    tpu.enqueue_dma source(%arg12 : memref<96x128xf32, #tpu.memory_space<vmem>>) target(%dma_start3A_63 : memref<96x128xf32, #tpu.memory_space<hbm>>) target_semaphore(%arg19 : memref<!tpu.dma_semaphore, #tpu.memory_space<semaphore_mem>>)
    %dma_wait3A_64 = arith.constant 128 : i32
    %dma_wait3A_65 = tpu.memref_slice %arg8[%dma_wait3A_64] : memref<192xi32, #tpu.memory_space<vmem>> -> memref<64xi32, #tpu.memory_space<vmem>>
    %dma_wait3A_66 = arith.constant 0 : i32
    %dma_wait3A_67 = arith.constant 0 : i32
    %dma_wait3A_68 = tpu.memref_slice %arg4[%dma_wait3A_66, %dma_wait3A_67] : memref<100000x768xf32, #tpu.memory_space<hbm>> -> memref<100000x768xf32, #tpu.memory_space<hbm>>
    tpu.wait_indirect_dma semaphore(%arg14 : memref<!tpu.dma_semaphore, #tpu.memory_space<semaphore_mem>>) src(%dma_wait3A_68 : memref<100000x768xf32, #tpu.memory_space<hbm>>) dst(%arg10 : memref<64x768xf32, #tpu.memory_space<vmem>>)
    %add3A_69 = arith.constant 128 : i32
    %add3A_70 = arith.addi %mul3A_2, %add3A_69 : i32
    %dma_start3A_71 = arith.constant 0 : i32
    %dma_start3A_72 = tpu.memref_slice %arg6[%add3A_70, %dma_start3A_71] : memref<6144x768xf32, #tpu.memory_space<hbm>> -> memref<64x768xf32, #tpu.memory_space<hbm>>
    %dma_start3A_73 = arith.constant 0 : i32
    %dma_start3A_74 = tpu.memref_slice %arg6[%add3A_70, %dma_start3A_73] : memref<6144x768xf32, #tpu.memory_space<hbm>> -> memref<64x768xf32, #tpu.memory_space<hbm>>
    tpu.enqueue_dma source(%arg10 : memref<64x768xf32, #tpu.memory_space<vmem>>) target(%dma_start3A_74 : memref<64x768xf32, #tpu.memory_space<hbm>>) target_semaphore(%arg16 : memref<!tpu.dma_semaphore, #tpu.memory_space<semaphore_mem>>)
    %dma_wait3A_75 = arith.constant 0 : i32
    %dma_wait3A_76 = tpu.memref_slice %arg7[%mul3A_2, %dma_wait3A_75] : memref<6144x128xf32, #tpu.memory_space<hbm>> -> memref<96x128xf32, #tpu.memory_space<hbm>>
    %dma_wait3A_77 = arith.constant 0 : i32
    %dma_wait3A_78 = tpu.memref_slice %arg7[%mul3A_2, %dma_wait3A_77] : memref<6144x128xf32, #tpu.memory_space<hbm>> -> memref<96x128xf32, #tpu.memory_space<hbm>>
    tpu.wait_dma2 semaphore(%arg19 : memref<!tpu.dma_semaphore, #tpu.memory_space<semaphore_mem>>) src(%arg12 : memref<96x128xf32, #tpu.memory_space<vmem>>) dst(%dma_wait3A_78 : memref<96x128xf32, #tpu.memory_space<hbm>>)
    %dma_start3A_79 = arith.constant 96 : i32
    %dma_start3A_80 = tpu.memref_slice %arg9[%dma_start3A_79] : memref<192xi32, #tpu.memory_space<vmem>> -> memref<96xi32, #tpu.memory_space<vmem>>
    %dma_start3A_81 = arith.constant 0 : i32
    %dma_start3A_82 = arith.constant 0 : i32
    %dma_start3A_83 = tpu.memref_slice %arg5[%dma_start3A_81, %dma_start3A_82] : memref<50000x128xf32, #tpu.memory_space<hbm>> -> memref<50000x128xf32, #tpu.memory_space<hbm>>
    tpu.enqueue_indirect_dma source(%dma_start3A_83 : memref<50000x128xf32, #tpu.memory_space<hbm>>) target(%arg12 : memref<96x128xf32, #tpu.memory_space<vmem>>) offsets(%dma_start3A_80 : memref<96xi32, #tpu.memory_space<vmem>>) semaphore(%arg18 : memref<!tpu.dma_semaphore, #tpu.memory_space<semaphore_mem>>)
    %dma_wait3A_84 = arith.constant 96 : i32
    %dma_wait3A_85 = tpu.memref_slice %arg9[%dma_wait3A_84] : memref<192xi32, #tpu.memory_space<vmem>> -> memref<96xi32, #tpu.memory_space<vmem>>
    %dma_wait3A_86 = arith.constant 0 : i32
    %dma_wait3A_87 = arith.constant 0 : i32
    %dma_wait3A_88 = tpu.memref_slice %arg5[%dma_wait3A_86, %dma_wait3A_87] : memref<50000x128xf32, #tpu.memory_space<hbm>> -> memref<50000x128xf32, #tpu.memory_space<hbm>>
    tpu.wait_indirect_dma semaphore(%arg18 : memref<!tpu.dma_semaphore, #tpu.memory_space<semaphore_mem>>) src(%dma_wait3A_88 : memref<50000x128xf32, #tpu.memory_space<hbm>>) dst(%arg12 : memref<96x128xf32, #tpu.memory_space<vmem>>)
    %add3A_89 = arith.constant 96 : i32
    %add3A_90 = arith.addi %mul3A_2, %add3A_89 : i32
    %dma_start3A_91 = arith.constant 0 : i32
    %dma_start3A_92 = tpu.memref_slice %arg7[%add3A_90, %dma_start3A_91] : memref<6144x128xf32, #tpu.memory_space<hbm>> -> memref<96x128xf32, #tpu.memory_space<hbm>>
    %dma_start3A_93 = arith.constant 0 : i32
    %dma_start3A_94 = tpu.memref_slice %arg7[%add3A_90, %dma_start3A_93] : memref<6144x128xf32, #tpu.memory_space<hbm>> -> memref<96x128xf32, #tpu.memory_space<hbm>>
    tpu.enqueue_dma source(%arg12 : memref<96x128xf32, #tpu.memory_space<vmem>>) target(%dma_start3A_94 : memref<96x128xf32, #tpu.memory_space<hbm>>) target_semaphore(%arg19 : memref<!tpu.dma_semaphore, #tpu.memory_space<semaphore_mem>>)
    %dma_wait3A_95 = arith.constant 0 : i32
    %dma_wait3A_96 = tpu.memref_slice %arg6[%add3A_41, %dma_wait3A_95] : memref<6144x768xf32, #tpu.memory_space<hbm>> -> memref<64x768xf32, #tpu.memory_space<hbm>>
    %dma_wait3A_97 = arith.constant 0 : i32
    %dma_wait3A_98 = tpu.memref_slice %arg6[%add3A_41, %dma_wait3A_97] : memref<6144x768xf32, #tpu.memory_space<hbm>> -> memref<64x768xf32, #tpu.memory_space<hbm>>
    tpu.wait_dma2 semaphore(%arg17 : memref<!tpu.dma_semaphore, #tpu.memory_space<semaphore_mem>>) src(%arg11 : memref<64x768xf32, #tpu.memory_space<vmem>>) dst(%dma_wait3A_98 : memref<64x768xf32, #tpu.memory_space<hbm>>)
    %dma_wait3A_99 = arith.constant 0 : i32
    %dma_wait3A_100 = tpu.memref_slice %arg6[%add3A_70, %dma_wait3A_99] : memref<6144x768xf32, #tpu.memory_space<hbm>> -> memref<64x768xf32, #tpu.memory_space<hbm>>
    %dma_wait3A_101 = arith.constant 0 : i32
    %dma_wait3A_102 = tpu.memref_slice %arg6[%add3A_70, %dma_wait3A_101] : memref<6144x768xf32, #tpu.memory_space<hbm>> -> memref<64x768xf32, #tpu.memory_space<hbm>>
    tpu.wait_dma2 semaphore(%arg16 : memref<!tpu.dma_semaphore, #tpu.memory_space<semaphore_mem>>) src(%arg10 : memref<64x768xf32, #tpu.memory_space<vmem>>) dst(%dma_wait3A_102 : memref<64x768xf32, #tpu.memory_space<hbm>>)
    %dma_wait3A_103 = arith.constant 0 : i32
    %dma_wait3A_104 = tpu.memref_slice %arg7[%add3A_90, %dma_wait3A_103] : memref<6144x128xf32, #tpu.memory_space<hbm>> -> memref<96x128xf32, #tpu.memory_space<hbm>>
    %dma_wait3A_105 = arith.constant 0 : i32
    %dma_wait3A_106 = tpu.memref_slice %arg7[%add3A_90, %dma_wait3A_105] : memref<6144x128xf32, #tpu.memory_space<hbm>> -> memref<96x128xf32, #tpu.memory_space<hbm>>
    tpu.wait_dma2 semaphore(%arg19 : memref<!tpu.dma_semaphore, #tpu.memory_space<semaphore_mem>>) src(%arg12 : memref<96x128xf32, #tpu.memory_space<vmem>>) dst(%dma_wait3A_106 : memref<96x128xf32, #tpu.memory_space<hbm>>)
    return
  }
}

#map = affine_map<(d0, d1) -> (0)>
#map1 = affine_map<(d0, d1) -> (0, 0)>
module attributes {stable_mosaic.version = 14 : i64} {
  func.func @k(%arg0: i32, %arg1: i32, %arg2: memref<8192xi32, #tpu.memory_space<hbm>>, %arg3: memref<8192xi32, #tpu.memory_space<hbm>>, %arg4: memref<100000x768xf32, #tpu.memory_space<hbm>>, %arg5: memref<50000x128xf32, #tpu.memory_space<hbm>>, %arg6: memref<2048x768xf32, #tpu.memory_space<hbm>>, %arg7: memref<2048x128xf32, #tpu.memory_space<hbm>>, %arg8: memref<64xi32, #tpu.memory_space<vmem>>, %arg9: memref<64xi32, #tpu.memory_space<vmem>>, %arg10: memref<32x768xf32, #tpu.memory_space<vmem>>, %arg11: memref<32x768xf32, #tpu.memory_space<vmem>>, %arg12: memref<32x128xf32, #tpu.memory_space<vmem>>, %arg13: memref<!tpu.dma_semaphore, #tpu.memory_space<semaphore_mem>>, %arg14: memref<!tpu.dma_semaphore, #tpu.memory_space<semaphore_mem>>, %arg15: memref<!tpu.dma_semaphore, #tpu.memory_space<semaphore_mem>>, %arg16: memref<!tpu.dma_semaphore, #tpu.memory_space<semaphore_mem>>, %arg17: memref<!tpu.dma_semaphore, #tpu.memory_space<semaphore_mem>>, %arg18: memref<!tpu.dma_semaphore, #tpu.memory_space<semaphore_mem>>, %arg19: memref<!tpu.dma_semaphore, #tpu.memory_space<semaphore_mem>>) attributes {dimension_semantics = [#tpu.dimension_semantics<core_parallel>, #tpu.dimension_semantics<subcore_parallel>], iteration_bounds = array<i64: 2, 16>, scalar_prefetch = 0 : i64, scratch_operands = 12 : i64, tpu.core_type = #tpu.core_type<sc_vector_subcore>, window_params = [{transform_indices = #map}, {transform_indices = #map}, {transform_indices = #map1}, {transform_indices = #map1}, {transform_indices = #map1}, {transform_indices = #map1}]} {
    %mul3A = arith.constant 2 : i32
    %mul3A_0 = arith.muli %arg1, %mul3A : i32
    %add3A = arith.addi %mul3A_0, %arg0 : i32
    %mul3A_1 = arith.constant 64 : i32
    %mul3A_2 = arith.muli %add3A, %mul3A_1 : i32
    %add3A_3 = arith.constant 6144 : i32
    %add3A_4 = arith.addi %add3A_3, %mul3A_2 : i32
    %dma_start3A = tpu.memref_slice %arg2[%add3A_4] : memref<8192xi32, #tpu.memory_space<hbm>> -> memref<64xi32, #tpu.memory_space<hbm>>
    %dma_start3A_5 = tpu.memref_slice %arg2[%add3A_4] : memref<8192xi32, #tpu.memory_space<hbm>> -> memref<64xi32, #tpu.memory_space<hbm>>
    tpu.enqueue_dma source(%dma_start3A_5 : memref<64xi32, #tpu.memory_space<hbm>>) target(%arg8 : memref<64xi32, #tpu.memory_space<vmem>>) target_semaphore(%arg13 : memref<!tpu.dma_semaphore, #tpu.memory_space<semaphore_mem>>)
    %dma_start3A_6 = tpu.memref_slice %arg3[%add3A_4] : memref<8192xi32, #tpu.memory_space<hbm>> -> memref<64xi32, #tpu.memory_space<hbm>>
    %dma_start3A_7 = tpu.memref_slice %arg3[%add3A_4] : memref<8192xi32, #tpu.memory_space<hbm>> -> memref<64xi32, #tpu.memory_space<hbm>>
    tpu.enqueue_dma source(%dma_start3A_7 : memref<64xi32, #tpu.memory_space<hbm>>) target(%arg9 : memref<64xi32, #tpu.memory_space<vmem>>) target_semaphore(%arg13 : memref<!tpu.dma_semaphore, #tpu.memory_space<semaphore_mem>>)
    %dma_wait3A = tpu.memref_slice %arg2[%add3A_4] : memref<8192xi32, #tpu.memory_space<hbm>> -> memref<64xi32, #tpu.memory_space<hbm>>
    %dma_wait3A_8 = tpu.memref_slice %arg2[%add3A_4] : memref<8192xi32, #tpu.memory_space<hbm>> -> memref<64xi32, #tpu.memory_space<hbm>>
    tpu.wait_dma2 semaphore(%arg13 : memref<!tpu.dma_semaphore, #tpu.memory_space<semaphore_mem>>) src(%dma_wait3A_8 : memref<64xi32, #tpu.memory_space<hbm>>) dst(%arg8 : memref<64xi32, #tpu.memory_space<vmem>>)
    %dma_wait3A_9 = tpu.memref_slice %arg3[%add3A_4] : memref<8192xi32, #tpu.memory_space<hbm>> -> memref<64xi32, #tpu.memory_space<hbm>>
    %dma_wait3A_10 = tpu.memref_slice %arg3[%add3A_4] : memref<8192xi32, #tpu.memory_space<hbm>> -> memref<64xi32, #tpu.memory_space<hbm>>
    tpu.wait_dma2 semaphore(%arg13 : memref<!tpu.dma_semaphore, #tpu.memory_space<semaphore_mem>>) src(%dma_wait3A_10 : memref<64xi32, #tpu.memory_space<hbm>>) dst(%arg9 : memref<64xi32, #tpu.memory_space<vmem>>)
    %dma_start3A_11 = arith.constant 0 : i32
    %dma_start3A_12 = tpu.memref_slice %arg8[%dma_start3A_11] : memref<64xi32, #tpu.memory_space<vmem>> -> memref<32xi32, #tpu.memory_space<vmem>>
    %dma_start3A_13 = arith.constant 0 : i32
    %dma_start3A_14 = arith.constant 0 : i32
    %dma_start3A_15 = tpu.memref_slice %arg4[%dma_start3A_13, %dma_start3A_14] : memref<100000x768xf32, #tpu.memory_space<hbm>> -> memref<100000x768xf32, #tpu.memory_space<hbm>>
    tpu.enqueue_indirect_dma source(%dma_start3A_15 : memref<100000x768xf32, #tpu.memory_space<hbm>>) target(%arg10 : memref<32x768xf32, #tpu.memory_space<vmem>>) offsets(%dma_start3A_12 : memref<32xi32, #tpu.memory_space<vmem>>) semaphore(%arg14 : memref<!tpu.dma_semaphore, #tpu.memory_space<semaphore_mem>>)
    %dma_start3A_16 = arith.constant 32 : i32
    %dma_start3A_17 = tpu.memref_slice %arg8[%dma_start3A_16] : memref<64xi32, #tpu.memory_space<vmem>> -> memref<32xi32, #tpu.memory_space<vmem>>
    %dma_start3A_18 = arith.constant 0 : i32
    %dma_start3A_19 = arith.constant 0 : i32
    %dma_start3A_20 = tpu.memref_slice %arg4[%dma_start3A_18, %dma_start3A_19] : memref<100000x768xf32, #tpu.memory_space<hbm>> -> memref<100000x768xf32, #tpu.memory_space<hbm>>
    tpu.enqueue_indirect_dma source(%dma_start3A_20 : memref<100000x768xf32, #tpu.memory_space<hbm>>) target(%arg11 : memref<32x768xf32, #tpu.memory_space<vmem>>) offsets(%dma_start3A_17 : memref<32xi32, #tpu.memory_space<vmem>>) semaphore(%arg15 : memref<!tpu.dma_semaphore, #tpu.memory_space<semaphore_mem>>)
    %dma_start3A_21 = arith.constant 0 : i32
    %dma_start3A_22 = tpu.memref_slice %arg9[%dma_start3A_21] : memref<64xi32, #tpu.memory_space<vmem>> -> memref<32xi32, #tpu.memory_space<vmem>>
    %dma_start3A_23 = arith.constant 0 : i32
    %dma_start3A_24 = arith.constant 0 : i32
    %dma_start3A_25 = tpu.memref_slice %arg5[%dma_start3A_23, %dma_start3A_24] : memref<50000x128xf32, #tpu.memory_space<hbm>> -> memref<50000x128xf32, #tpu.memory_space<hbm>>
    tpu.enqueue_indirect_dma source(%dma_start3A_25 : memref<50000x128xf32, #tpu.memory_space<hbm>>) target(%arg12 : memref<32x128xf32, #tpu.memory_space<vmem>>) offsets(%dma_start3A_22 : memref<32xi32, #tpu.memory_space<vmem>>) semaphore(%arg18 : memref<!tpu.dma_semaphore, #tpu.memory_space<semaphore_mem>>)
    %dma_wait3A_26 = arith.constant 0 : i32
    %dma_wait3A_27 = tpu.memref_slice %arg8[%dma_wait3A_26] : memref<64xi32, #tpu.memory_space<vmem>> -> memref<32xi32, #tpu.memory_space<vmem>>
    %dma_wait3A_28 = arith.constant 0 : i32
    %dma_wait3A_29 = arith.constant 0 : i32
    %dma_wait3A_30 = tpu.memref_slice %arg4[%dma_wait3A_28, %dma_wait3A_29] : memref<100000x768xf32, #tpu.memory_space<hbm>> -> memref<100000x768xf32, #tpu.memory_space<hbm>>
    tpu.wait_indirect_dma semaphore(%arg14 : memref<!tpu.dma_semaphore, #tpu.memory_space<semaphore_mem>>) src(%dma_wait3A_30 : memref<100000x768xf32, #tpu.memory_space<hbm>>) dst(%arg10 : memref<32x768xf32, #tpu.memory_space<vmem>>)
    %dma_start3A_31 = arith.constant 0 : i32
    %dma_start3A_32 = tpu.memref_slice %arg6[%mul3A_2, %dma_start3A_31] : memref<2048x768xf32, #tpu.memory_space<hbm>> -> memref<32x768xf32, #tpu.memory_space<hbm>>
    %dma_start3A_33 = arith.constant 0 : i32
    %dma_start3A_34 = tpu.memref_slice %arg6[%mul3A_2, %dma_start3A_33] : memref<2048x768xf32, #tpu.memory_space<hbm>> -> memref<32x768xf32, #tpu.memory_space<hbm>>
    tpu.enqueue_dma source(%arg10 : memref<32x768xf32, #tpu.memory_space<vmem>>) target(%dma_start3A_34 : memref<32x768xf32, #tpu.memory_space<hbm>>) target_semaphore(%arg16 : memref<!tpu.dma_semaphore, #tpu.memory_space<semaphore_mem>>)
    %dma_wait3A_35 = arith.constant 32 : i32
    %dma_wait3A_36 = tpu.memref_slice %arg8[%dma_wait3A_35] : memref<64xi32, #tpu.memory_space<vmem>> -> memref<32xi32, #tpu.memory_space<vmem>>
    %dma_wait3A_37 = arith.constant 0 : i32
    %dma_wait3A_38 = arith.constant 0 : i32
    %dma_wait3A_39 = tpu.memref_slice %arg4[%dma_wait3A_37, %dma_wait3A_38] : memref<100000x768xf32, #tpu.memory_space<hbm>> -> memref<100000x768xf32, #tpu.memory_space<hbm>>
    tpu.wait_indirect_dma semaphore(%arg15 : memref<!tpu.dma_semaphore, #tpu.memory_space<semaphore_mem>>) src(%dma_wait3A_39 : memref<100000x768xf32, #tpu.memory_space<hbm>>) dst(%arg11 : memref<32x768xf32, #tpu.memory_space<vmem>>)
    %add3A_40 = arith.constant 32 : i32
    %add3A_41 = arith.addi %mul3A_2, %add3A_40 : i32
    %dma_start3A_42 = arith.constant 0 : i32
    %dma_start3A_43 = tpu.memref_slice %arg6[%add3A_41, %dma_start3A_42] : memref<2048x768xf32, #tpu.memory_space<hbm>> -> memref<32x768xf32, #tpu.memory_space<hbm>>
    %dma_start3A_44 = arith.constant 0 : i32
    %dma_start3A_45 = tpu.memref_slice %arg6[%add3A_41, %dma_start3A_44] : memref<2048x768xf32, #tpu.memory_space<hbm>> -> memref<32x768xf32, #tpu.memory_space<hbm>>
    tpu.enqueue_dma source(%arg11 : memref<32x768xf32, #tpu.memory_space<vmem>>) target(%dma_start3A_45 : memref<32x768xf32, #tpu.memory_space<hbm>>) target_semaphore(%arg17 : memref<!tpu.dma_semaphore, #tpu.memory_space<semaphore_mem>>)
    %dma_wait3A_46 = arith.constant 0 : i32
    %dma_wait3A_47 = tpu.memref_slice %arg9[%dma_wait3A_46] : memref<64xi32, #tpu.memory_space<vmem>> -> memref<32xi32, #tpu.memory_space<vmem>>
    %dma_wait3A_48 = arith.constant 0 : i32
    %dma_wait3A_49 = arith.constant 0 : i32
    %dma_wait3A_50 = tpu.memref_slice %arg5[%dma_wait3A_48, %dma_wait3A_49] : memref<50000x128xf32, #tpu.memory_space<hbm>> -> memref<50000x128xf32, #tpu.memory_space<hbm>>
    tpu.wait_indirect_dma semaphore(%arg18 : memref<!tpu.dma_semaphore, #tpu.memory_space<semaphore_mem>>) src(%dma_wait3A_50 : memref<50000x128xf32, #tpu.memory_space<hbm>>) dst(%arg12 : memref<32x128xf32, #tpu.memory_space<vmem>>)
    %dma_start3A_51 = arith.constant 0 : i32
    %dma_start3A_52 = tpu.memref_slice %arg7[%mul3A_2, %dma_start3A_51] : memref<2048x128xf32, #tpu.memory_space<hbm>> -> memref<32x128xf32, #tpu.memory_space<hbm>>
    %dma_start3A_53 = arith.constant 0 : i32
    %dma_start3A_54 = tpu.memref_slice %arg7[%mul3A_2, %dma_start3A_53] : memref<2048x128xf32, #tpu.memory_space<hbm>> -> memref<32x128xf32, #tpu.memory_space<hbm>>
    tpu.enqueue_dma source(%arg12 : memref<32x128xf32, #tpu.memory_space<vmem>>) target(%dma_start3A_54 : memref<32x128xf32, #tpu.memory_space<hbm>>) target_semaphore(%arg19 : memref<!tpu.dma_semaphore, #tpu.memory_space<semaphore_mem>>)
    %dma_wait3A_55 = arith.constant 0 : i32
    %dma_wait3A_56 = tpu.memref_slice %arg7[%mul3A_2, %dma_wait3A_55] : memref<2048x128xf32, #tpu.memory_space<hbm>> -> memref<32x128xf32, #tpu.memory_space<hbm>>
    %dma_wait3A_57 = arith.constant 0 : i32
    %dma_wait3A_58 = tpu.memref_slice %arg7[%mul3A_2, %dma_wait3A_57] : memref<2048x128xf32, #tpu.memory_space<hbm>> -> memref<32x128xf32, #tpu.memory_space<hbm>>
    tpu.wait_dma2 semaphore(%arg19 : memref<!tpu.dma_semaphore, #tpu.memory_space<semaphore_mem>>) src(%arg12 : memref<32x128xf32, #tpu.memory_space<vmem>>) dst(%dma_wait3A_58 : memref<32x128xf32, #tpu.memory_space<hbm>>)
    %dma_start3A_59 = arith.constant 32 : i32
    %dma_start3A_60 = tpu.memref_slice %arg9[%dma_start3A_59] : memref<64xi32, #tpu.memory_space<vmem>> -> memref<32xi32, #tpu.memory_space<vmem>>
    %dma_start3A_61 = arith.constant 0 : i32
    %dma_start3A_62 = arith.constant 0 : i32
    %dma_start3A_63 = tpu.memref_slice %arg5[%dma_start3A_61, %dma_start3A_62] : memref<50000x128xf32, #tpu.memory_space<hbm>> -> memref<50000x128xf32, #tpu.memory_space<hbm>>
    tpu.enqueue_indirect_dma source(%dma_start3A_63 : memref<50000x128xf32, #tpu.memory_space<hbm>>) target(%arg12 : memref<32x128xf32, #tpu.memory_space<vmem>>) offsets(%dma_start3A_60 : memref<32xi32, #tpu.memory_space<vmem>>) semaphore(%arg18 : memref<!tpu.dma_semaphore, #tpu.memory_space<semaphore_mem>>)
    %dma_wait3A_64 = arith.constant 32 : i32
    %dma_wait3A_65 = tpu.memref_slice %arg9[%dma_wait3A_64] : memref<64xi32, #tpu.memory_space<vmem>> -> memref<32xi32, #tpu.memory_space<vmem>>
    %dma_wait3A_66 = arith.constant 0 : i32
    %dma_wait3A_67 = arith.constant 0 : i32
    %dma_wait3A_68 = tpu.memref_slice %arg5[%dma_wait3A_66, %dma_wait3A_67] : memref<50000x128xf32, #tpu.memory_space<hbm>> -> memref<50000x128xf32, #tpu.memory_space<hbm>>
    tpu.wait_indirect_dma semaphore(%arg18 : memref<!tpu.dma_semaphore, #tpu.memory_space<semaphore_mem>>) src(%dma_wait3A_68 : memref<50000x128xf32, #tpu.memory_space<hbm>>) dst(%arg12 : memref<32x128xf32, #tpu.memory_space<vmem>>)
    %add3A_69 = arith.constant 32 : i32
    %add3A_70 = arith.addi %mul3A_2, %add3A_69 : i32
    %dma_start3A_71 = arith.constant 0 : i32
    %dma_start3A_72 = tpu.memref_slice %arg7[%add3A_70, %dma_start3A_71] : memref<2048x128xf32, #tpu.memory_space<hbm>> -> memref<32x128xf32, #tpu.memory_space<hbm>>
    %dma_start3A_73 = arith.constant 0 : i32
    %dma_start3A_74 = tpu.memref_slice %arg7[%add3A_70, %dma_start3A_73] : memref<2048x128xf32, #tpu.memory_space<hbm>> -> memref<32x128xf32, #tpu.memory_space<hbm>>
    tpu.enqueue_dma source(%arg12 : memref<32x128xf32, #tpu.memory_space<vmem>>) target(%dma_start3A_74 : memref<32x128xf32, #tpu.memory_space<hbm>>) target_semaphore(%arg19 : memref<!tpu.dma_semaphore, #tpu.memory_space<semaphore_mem>>)
    %dma_wait3A_75 = arith.constant 0 : i32
    %dma_wait3A_76 = tpu.memref_slice %arg6[%mul3A_2, %dma_wait3A_75] : memref<2048x768xf32, #tpu.memory_space<hbm>> -> memref<32x768xf32, #tpu.memory_space<hbm>>
    %dma_wait3A_77 = arith.constant 0 : i32
    %dma_wait3A_78 = tpu.memref_slice %arg6[%mul3A_2, %dma_wait3A_77] : memref<2048x768xf32, #tpu.memory_space<hbm>> -> memref<32x768xf32, #tpu.memory_space<hbm>>
    tpu.wait_dma2 semaphore(%arg16 : memref<!tpu.dma_semaphore, #tpu.memory_space<semaphore_mem>>) src(%arg10 : memref<32x768xf32, #tpu.memory_space<vmem>>) dst(%dma_wait3A_78 : memref<32x768xf32, #tpu.memory_space<hbm>>)
    %dma_wait3A_79 = arith.constant 0 : i32
    %dma_wait3A_80 = tpu.memref_slice %arg6[%add3A_41, %dma_wait3A_79] : memref<2048x768xf32, #tpu.memory_space<hbm>> -> memref<32x768xf32, #tpu.memory_space<hbm>>
    %dma_wait3A_81 = arith.constant 0 : i32
    %dma_wait3A_82 = tpu.memref_slice %arg6[%add3A_41, %dma_wait3A_81] : memref<2048x768xf32, #tpu.memory_space<hbm>> -> memref<32x768xf32, #tpu.memory_space<hbm>>
    tpu.wait_dma2 semaphore(%arg17 : memref<!tpu.dma_semaphore, #tpu.memory_space<semaphore_mem>>) src(%arg11 : memref<32x768xf32, #tpu.memory_space<vmem>>) dst(%dma_wait3A_82 : memref<32x768xf32, #tpu.memory_space<hbm>>)
    %dma_wait3A_83 = arith.constant 0 : i32
    %dma_wait3A_84 = tpu.memref_slice %arg7[%add3A_70, %dma_wait3A_83] : memref<2048x128xf32, #tpu.memory_space<hbm>> -> memref<32x128xf32, #tpu.memory_space<hbm>>
    %dma_wait3A_85 = arith.constant 0 : i32
    %dma_wait3A_86 = tpu.memref_slice %arg7[%add3A_70, %dma_wait3A_85] : memref<2048x128xf32, #tpu.memory_space<hbm>> -> memref<32x128xf32, #tpu.memory_space<hbm>>
    tpu.wait_dma2 semaphore(%arg19 : memref<!tpu.dma_semaphore, #tpu.memory_space<semaphore_mem>>) src(%arg12 : memref<32x128xf32, #tpu.memory_space<vmem>>) dst(%dma_wait3A_86 : memref<32x128xf32, #tpu.memory_space<hbm>>)
    return
  }
}

module attributes {stable_mosaic.version = 14 : i64} {
  func.func @_tc_body(%arg0: i32, %arg1: i32, %arg2: memref<2048x768xf32, #tpu.memory_space<vmem>>, %arg3: memref<2048x128xf32, #tpu.memory_space<vmem>>, %arg4: memref<2048x768xf32, #tpu.memory_space<vmem>>, %arg5: memref<1x768xf32, #tpu.memory_space<vmem>>, %arg6: memref<128x768xf32, #tpu.memory_space<vmem>>, %arg7: memref<1x768xf32, #tpu.memory_space<vmem>>, %arg8: memref<1x768xf32, #tpu.memory_space<vmem>>, %arg9: memref<2048x768xf32, #tpu.memory_space<vmem>>) attributes {dimension_semantics = [#tpu.dimension_semantics<arbitrary>, #tpu.dimension_semantics<arbitrary>], iteration_bounds = array<i64: 1, 3>, scalar_prefetch = 0 : i64, scratch_operands = 0 : i64, tpu.core_type = #tpu.core_type<tc>, window_params = [{transform_indices = @transform_0, window_bounds = array<i64: 2048, 768>}, {transform_indices = @transform_1, window_bounds = array<i64: 2048, 128>}, {transform_indices = @transform_2, window_bounds = array<i64: 2048, 768>}, {pipeline_mode = #tpu.pipeline_mode<synchronous>, transform_indices = @transform_3, window_bounds = array<i64: 1, 768>}, {pipeline_mode = #tpu.pipeline_mode<synchronous>, transform_indices = @transform_4, window_bounds = array<i64: 128, 768>}, {pipeline_mode = #tpu.pipeline_mode<synchronous>, transform_indices = @transform_5, window_bounds = array<i64: 1, 768>}, {pipeline_mode = #tpu.pipeline_mode<synchronous>, transform_indices = @transform_6, window_bounds = array<i64: 1, 768>}, {transform_indices = @transform_7, window_bounds = array<i64: 2048, 768>}]} {
    %get3A = arith.constant 0 : index
    %get3A_0 = arith.constant 0 : index
    %get3A_1 = vector.load %arg3[%get3A, %get3A_0] : memref<2048x128xf32, #tpu.memory_space<vmem>>, vector<2048x128xf32>
    %get3A_2 = arith.constant 0 : index
    %get3A_3 = arith.constant 0 : index
    %get3A_4 = vector.load %arg6[%get3A_2, %get3A_3] : memref<128x768xf32, #tpu.memory_space<vmem>>, vector<128x768xf32>
    %dot_general3A = arith.constant dense<0.000000e+00> : vector<2048x768xf32>
    %dot_general3A_5 = tpu.matmul %get3A_1, %get3A_4, %dot_general3A {dimension_numbers = #tpu.dot_dimension_numbers<[1], [0], [0], [1], [0, 0, 1, 1], [], []>, transpose_lhs_hint = false} : vector<2048x128xf32>, vector<128x768xf32>, vector<2048x768xf32> -> vector<2048x768xf32>
    %get3A_6 = arith.constant 0 : index
    %get3A_7 = arith.constant 0 : index
    %get3A_8 = vector.load %arg2[%get3A_6, %get3A_7] : memref<2048x768xf32, #tpu.memory_space<vmem>>, vector<2048x768xf32>
    %add3A = arith.addf %get3A_8, %dot_general3A_5 : vector<2048x768xf32>
    %get3A_9 = arith.constant 0 : index
    %get3A_10 = arith.constant 0 : index
    %get3A_11 = vector.load %arg4[%get3A_9, %get3A_10] : memref<2048x768xf32, #tpu.memory_space<vmem>>, vector<2048x768xf32>
    %add3A_12 = arith.addf %add3A, %get3A_11 : vector<2048x768xf32>
    %get3A_13 = arith.constant 0 : index
    %get3A_14 = arith.constant 0 : index
    %get3A_15 = vector.load %arg5[%get3A_13, %get3A_14] : memref<1x768xf32, #tpu.memory_space<vmem>>, vector<1x768xf32>
    %get3A_16 = vector.shape_cast %get3A_15 : vector<1x768xf32> to vector<768xf32>
    %broadcast_in_dim3A = vector.shape_cast %get3A_16 : vector<768xf32> to vector<1x768xf32>
    %add3A_17 = vector.broadcast %broadcast_in_dim3A : vector<1x768xf32> to vector<2048x768xf32>
    %add3A_18 = arith.addf %add3A_12, %add3A_17 : vector<2048x768xf32>
    %reduce_sum3A = arith.constant dense<0.000000e+00> : vector<2048xf32>
    %reduce_sum3A_19 = vector.multi_reduction <add>, %add3A_18, %reduce_sum3A [1] : vector<2048x768xf32> to vector<2048xf32>
    %broadcast_in_dim3A_20 = vector.shape_cast %reduce_sum3A_19 : vector<2048xf32> to vector<2048x1xf32>
    %div3A = arith.constant 7.680000e+02 : f32
    %div3A_21 = vector.broadcast %div3A : f32 to vector<2048x1xf32>
    %div3A_22 = arith.divf %broadcast_in_dim3A_20, %div3A_21 : vector<2048x1xf32>
    %sub3A = vector.broadcast %div3A_22 : vector<2048x1xf32> to vector<2048x768xf32>
    %sub3A_23 = arith.subf %add3A_18, %sub3A : vector<2048x768xf32>
    %mul3A = arith.mulf %sub3A_23, %sub3A_23 : vector<2048x768xf32>
    %reduce_sum3A_24 = arith.constant dense<0.000000e+00> : vector<2048xf32>
    %reduce_sum3A_25 = vector.multi_reduction <add>, %mul3A, %reduce_sum3A_24 [1] : vector<2048x768xf32> to vector<2048xf32>
    %broadcast_in_dim3A_26 = vector.shape_cast %reduce_sum3A_25 : vector<2048xf32> to vector<2048x1xf32>
    %div3A_27 = arith.constant 7.680000e+02 : f32
    %div3A_28 = vector.broadcast %div3A_27 : f32 to vector<2048x1xf32>
    %div3A_29 = arith.divf %broadcast_in_dim3A_26, %div3A_28 : vector<2048x1xf32>
    %add3A_30 = arith.constant 9.99999996E-13 : f32
    %add3A_31 = vector.broadcast %add3A_30 : f32 to vector<2048x1xf32>
    %add3A_32 = arith.addf %div3A_29, %add3A_31 : vector<2048x1xf32>
    %rsqrt3A = math.rsqrt %add3A_32 : vector<2048x1xf32>
    %mul3A_33 = vector.broadcast %rsqrt3A : vector<2048x1xf32> to vector<2048x768xf32>
    %mul3A_34 = arith.mulf %sub3A_23, %mul3A_33 : vector<2048x768xf32>
    %get3A_35 = arith.constant 0 : index
    %get3A_36 = arith.constant 0 : index
    %get3A_37 = vector.load %arg7[%get3A_35, %get3A_36] : memref<1x768xf32, #tpu.memory_space<vmem>>, vector<1x768xf32>
    %get3A_38 = vector.shape_cast %get3A_37 : vector<1x768xf32> to vector<768xf32>
    %broadcast_in_dim3A_39 = vector.shape_cast %get3A_38 : vector<768xf32> to vector<1x768xf32>
    %mul3A_40 = vector.broadcast %broadcast_in_dim3A_39 : vector<1x768xf32> to vector<2048x768xf32>
    %mul3A_41 = arith.mulf %mul3A_34, %mul3A_40 : vector<2048x768xf32>
    %get3A_42 = arith.constant 0 : index
    %get3A_43 = arith.constant 0 : index
    %get3A_44 = vector.load %arg8[%get3A_42, %get3A_43] : memref<1x768xf32, #tpu.memory_space<vmem>>, vector<1x768xf32>
    %get3A_45 = vector.shape_cast %get3A_44 : vector<1x768xf32> to vector<768xf32>
    %broadcast_in_dim3A_46 = vector.shape_cast %get3A_45 : vector<768xf32> to vector<1x768xf32>
    %add3A_47 = vector.broadcast %broadcast_in_dim3A_46 : vector<1x768xf32> to vector<2048x768xf32>
    %add3A_48 = arith.addf %mul3A_41, %add3A_47 : vector<2048x768xf32>
    %swap3A = arith.constant 0 : index
    %swap3A_49 = arith.constant 0 : index
    %swap3A_50 = vector.load %arg9[%swap3A, %swap3A_49] : memref<2048x768xf32, #tpu.memory_space<vmem>>, vector<2048x768xf32>
    tpu.vector_store %arg9[%swap3A, %swap3A_49], %add3A_48 {strides = array<i32>} : memref<2048x768xf32, #tpu.memory_space<vmem>>, vector<2048x768xf32>,
    return
  }
  func.func @transform_0(%arg0: i32, %arg1: i32) -> (i32, i32) {
    %mul3A = arith.constant 1 : i32
    %mul3A_0 = arith.muli %arg1, %mul3A : i32
    %add3A = arith.addi %mul3A_0, %arg0 : i32
    %c0_i32 = arith.constant 0 : i32
    %c0_i32_1 = arith.constant 0 : i32
    return %add3A, %c0_i32 : i32, i32
  }
  func.func @transform_1(%arg0: i32, %arg1: i32) -> (i32, i32) {
    %mul3A = arith.constant 1 : i32
    %mul3A_0 = arith.muli %arg1, %mul3A : i32
    %add3A = arith.addi %mul3A_0, %arg0 : i32
    %c0_i32 = arith.constant 0 : i32
    %c0_i32_1 = arith.constant 0 : i32
    return %add3A, %c0_i32 : i32, i32
  }
  func.func @transform_2(%arg0: i32, %arg1: i32) -> (i32, i32) {
    %c0_i32 = arith.constant 0 : i32
    %c0_i32_0 = arith.constant 0 : i32
    return %arg0, %c0_i32 : i32, i32
  }
  func.func @transform_3(%arg0: i32, %arg1: i32) -> (i32, i32) {
    %c0_i32 = arith.constant 0 : i32
    %c0_i32_0 = arith.constant 0 : i32
    %c0_i32_1 = arith.constant 0 : i32
    return %c0_i32, %c0_i32_0 : i32, i32
  }
  func.func @transform_4(%arg0: i32, %arg1: i32) -> (i32, i32) {
    %c0_i32 = arith.constant 0 : i32
    %c0_i32_0 = arith.constant 0 : i32
    %c0_i32_1 = arith.constant 0 : i32
    return %c0_i32, %c0_i32_0 : i32, i32
  }
  func.func @transform_5(%arg0: i32, %arg1: i32) -> (i32, i32) {
    %c0_i32 = arith.constant 0 : i32
    %c0_i32_0 = arith.constant 0 : i32
    %c0_i32_1 = arith.constant 0 : i32
    return %c0_i32, %c0_i32_0 : i32, i32
  }
  func.func @transform_6(%arg0: i32, %arg1: i32) -> (i32, i32) {
    %c0_i32 = arith.constant 0 : i32
    %c0_i32_0 = arith.constant 0 : i32
    %c0_i32_1 = arith.constant 0 : i32
    return %c0_i32, %c0_i32_0 : i32, i32
  }
  func.func @transform_7(%arg0: i32, %arg1: i32) -> (i32, i32) {
    %add3A = arith.constant 0 : i32
    %add3A_0 = arith.addi %add3A, %arg1 : i32
    %mul3A = arith.constant 1 : i32
    %mul3A_1 = arith.muli %add3A_0, %mul3A : i32
    %add3A_2 = arith.addi %mul3A_1, %arg0 : i32
    %c0_i32 = arith.constant 0 : i32
    %c0_i32_3 = arith.constant 0 : i32
    return %add3A_2, %c0_i32 : i32, i32
  }
}

module attributes {stable_mosaic.version = 14 : i64} {
  func.func @_tc_body_alias(%arg0: i32, %arg1: i32, %arg2: memref<2048x768xf32, #tpu.memory_space<vmem>>, %arg3: memref<2048x128xf32, #tpu.memory_space<vmem>>, %arg4: memref<2048x768xf32, #tpu.memory_space<vmem>>, %arg5: memref<1x768xf32, #tpu.memory_space<vmem>>, %arg6: memref<128x768xf32, #tpu.memory_space<vmem>>, %arg7: memref<1x768xf32, #tpu.memory_space<vmem>>, %arg8: memref<1x768xf32, #tpu.memory_space<vmem>>, %arg9: memref<8192x768xf32, #tpu.memory_space<any>>, %arg10: memref<2048x768xf32, #tpu.memory_space<vmem>>) attributes {dimension_semantics = [#tpu.dimension_semantics<arbitrary>, #tpu.dimension_semantics<arbitrary>], iteration_bounds = array<i64: 1, 1>, scalar_prefetch = 0 : i64, scratch_operands = 0 : i64, tpu.core_type = #tpu.core_type<tc>, window_params = [{transform_indices = @transform_0, window_bounds = array<i64: 2048, 768>}, {transform_indices = @transform_1, window_bounds = array<i64: 2048, 128>}, {transform_indices = @transform_2, window_bounds = array<i64: 2048, 768>}, {pipeline_mode = #tpu.pipeline_mode<synchronous>, transform_indices = @transform_3, window_bounds = array<i64: 1, 768>}, {pipeline_mode = #tpu.pipeline_mode<synchronous>, transform_indices = @transform_4, window_bounds = array<i64: 128, 768>}, {pipeline_mode = #tpu.pipeline_mode<synchronous>, transform_indices = @transform_5, window_bounds = array<i64: 1, 768>}, {pipeline_mode = #tpu.pipeline_mode<synchronous>, transform_indices = @transform_6, window_bounds = array<i64: 1, 768>}, {}, {transform_indices = @transform_8, window_bounds = array<i64: 2048, 768>}]} {
    %get3A = arith.constant 0 : index
    %get3A_0 = arith.constant 0 : index
    %get3A_1 = vector.load %arg3[%get3A, %get3A_0] : memref<2048x128xf32, #tpu.memory_space<vmem>>, vector<2048x128xf32>
    %get3A_2 = arith.constant 0 : index
    %get3A_3 = arith.constant 0 : index
    %get3A_4 = vector.load %arg6[%get3A_2, %get3A_3] : memref<128x768xf32, #tpu.memory_space<vmem>>, vector<128x768xf32>
    %dot_general3A = arith.constant dense<0.000000e+00> : vector<2048x768xf32>
    %dot_general3A_5 = tpu.matmul %get3A_1, %get3A_4, %dot_general3A {dimension_numbers = #tpu.dot_dimension_numbers<[1], [0], [0], [1], [0, 0, 1, 1], [], []>, transpose_lhs_hint = false} : vector<2048x128xf32>, vector<128x768xf32>, vector<2048x768xf32> -> vector<2048x768xf32>
    %get3A_6 = arith.constant 0 : index
    %get3A_7 = arith.constant 0 : index
    %get3A_8 = vector.load %arg2[%get3A_6, %get3A_7] : memref<2048x768xf32, #tpu.memory_space<vmem>>, vector<2048x768xf32>
    %add3A = arith.addf %get3A_8, %dot_general3A_5 : vector<2048x768xf32>
    %get3A_9 = arith.constant 0 : index
    %get3A_10 = arith.constant 0 : index
    %get3A_11 = vector.load %arg4[%get3A_9, %get3A_10] : memref<2048x768xf32, #tpu.memory_space<vmem>>, vector<2048x768xf32>
    %add3A_12 = arith.addf %add3A, %get3A_11 : vector<2048x768xf32>
    %get3A_13 = arith.constant 0 : index
    %get3A_14 = arith.constant 0 : index
    %get3A_15 = vector.load %arg5[%get3A_13, %get3A_14] : memref<1x768xf32, #tpu.memory_space<vmem>>, vector<1x768xf32>
    %get3A_16 = vector.shape_cast %get3A_15 : vector<1x768xf32> to vector<768xf32>
    %broadcast_in_dim3A = vector.shape_cast %get3A_16 : vector<768xf32> to vector<1x768xf32>
    %add3A_17 = vector.broadcast %broadcast_in_dim3A : vector<1x768xf32> to vector<2048x768xf32>
    %add3A_18 = arith.addf %add3A_12, %add3A_17 : vector<2048x768xf32>
    %reduce_sum3A = arith.constant dense<0.000000e+00> : vector<2048xf32>
    %reduce_sum3A_19 = vector.multi_reduction <add>, %add3A_18, %reduce_sum3A [1] : vector<2048x768xf32> to vector<2048xf32>
    %broadcast_in_dim3A_20 = vector.shape_cast %reduce_sum3A_19 : vector<2048xf32> to vector<2048x1xf32>
    %div3A = arith.constant 7.680000e+02 : f32
    %div3A_21 = vector.broadcast %div3A : f32 to vector<2048x1xf32>
    %div3A_22 = arith.divf %broadcast_in_dim3A_20, %div3A_21 : vector<2048x1xf32>
    %sub3A = vector.broadcast %div3A_22 : vector<2048x1xf32> to vector<2048x768xf32>
    %sub3A_23 = arith.subf %add3A_18, %sub3A : vector<2048x768xf32>
    %mul3A = arith.mulf %sub3A_23, %sub3A_23 : vector<2048x768xf32>
    %reduce_sum3A_24 = arith.constant dense<0.000000e+00> : vector<2048xf32>
    %reduce_sum3A_25 = vector.multi_reduction <add>, %mul3A, %reduce_sum3A_24 [1] : vector<2048x768xf32> to vector<2048xf32>
    %broadcast_in_dim3A_26 = vector.shape_cast %reduce_sum3A_25 : vector<2048xf32> to vector<2048x1xf32>
    %div3A_27 = arith.constant 7.680000e+02 : f32
    %div3A_28 = vector.broadcast %div3A_27 : f32 to vector<2048x1xf32>
    %div3A_29 = arith.divf %broadcast_in_dim3A_26, %div3A_28 : vector<2048x1xf32>
    %add3A_30 = arith.constant 9.99999996E-13 : f32
    %add3A_31 = vector.broadcast %add3A_30 : f32 to vector<2048x1xf32>
    %add3A_32 = arith.addf %div3A_29, %add3A_31 : vector<2048x1xf32>
    %rsqrt3A = math.rsqrt %add3A_32 : vector<2048x1xf32>
    %mul3A_33 = vector.broadcast %rsqrt3A : vector<2048x1xf32> to vector<2048x768xf32>
    %mul3A_34 = arith.mulf %sub3A_23, %mul3A_33 : vector<2048x768xf32>
    %get3A_35 = arith.constant 0 : index
    %get3A_36 = arith.constant 0 : index
    %get3A_37 = vector.load %arg7[%get3A_35, %get3A_36] : memref<1x768xf32, #tpu.memory_space<vmem>>, vector<1x768xf32>
    %get3A_38 = vector.shape_cast %get3A_37 : vector<1x768xf32> to vector<768xf32>
    %broadcast_in_dim3A_39 = vector.shape_cast %get3A_38 : vector<768xf32> to vector<1x768xf32>
    %mul3A_40 = vector.broadcast %broadcast_in_dim3A_39 : vector<1x768xf32> to vector<2048x768xf32>
    %mul3A_41 = arith.mulf %mul3A_34, %mul3A_40 : vector<2048x768xf32>
    %get3A_42 = arith.constant 0 : index
    %get3A_43 = arith.constant 0 : index
    %get3A_44 = vector.load %arg8[%get3A_42, %get3A_43] : memref<1x768xf32, #tpu.memory_space<vmem>>, vector<1x768xf32>
    %get3A_45 = vector.shape_cast %get3A_44 : vector<1x768xf32> to vector<768xf32>
    %broadcast_in_dim3A_46 = vector.shape_cast %get3A_45 : vector<768xf32> to vector<1x768xf32>
    %add3A_47 = vector.broadcast %broadcast_in_dim3A_46 : vector<1x768xf32> to vector<2048x768xf32>
    %add3A_48 = arith.addf %mul3A_41, %add3A_47 : vector<2048x768xf32>
    %swap3A = arith.constant 0 : index
    %swap3A_49 = arith.constant 0 : index
    %swap3A_50 = vector.load %arg10[%swap3A, %swap3A_49] : memref<2048x768xf32, #tpu.memory_space<vmem>>, vector<2048x768xf32>
    tpu.vector_store %arg10[%swap3A, %swap3A_49], %add3A_48 {strides = array<i32>} : memref<2048x768xf32, #tpu.memory_space<vmem>>, vector<2048x768xf32>,
    return
  }
  func.func @transform_0(%arg0: i32, %arg1: i32) -> (i32, i32) {
    %mul3A = arith.constant 1 : i32
    %mul3A_0 = arith.muli %arg1, %mul3A : i32
    %add3A = arith.addi %mul3A_0, %arg0 : i32
    %c0_i32 = arith.constant 0 : i32
    %c0_i32_1 = arith.constant 0 : i32
    return %add3A, %c0_i32 : i32, i32
  }
  func.func @transform_1(%arg0: i32, %arg1: i32) -> (i32, i32) {
    %mul3A = arith.constant 1 : i32
    %mul3A_0 = arith.muli %arg1, %mul3A : i32
    %add3A = arith.addi %mul3A_0, %arg0 : i32
    %c0_i32 = arith.constant 0 : i32
    %c0_i32_1 = arith.constant 0 : i32
    return %add3A, %c0_i32 : i32, i32
  }
  func.func @transform_2(%arg0: i32, %arg1: i32) -> (i32, i32) {
    %c0_i32 = arith.constant 0 : i32
    %c0_i32_0 = arith.constant 0 : i32
    return %arg0, %c0_i32 : i32, i32
  }
  func.func @transform_3(%arg0: i32, %arg1: i32) -> (i32, i32) {
    %c0_i32 = arith.constant 0 : i32
    %c0_i32_0 = arith.constant 0 : i32
    %c0_i32_1 = arith.constant 0 : i32
    return %c0_i32, %c0_i32_0 : i32, i32
  }
  func.func @transform_4(%arg0: i32, %arg1: i32) -> (i32, i32) {
    %c0_i32 = arith.constant 0 : i32
    %c0_i32_0 = arith.constant 0 : i32
    %c0_i32_1 = arith.constant 0 : i32
    return %c0_i32, %c0_i32_0 : i32, i32
  }
  func.func @transform_5(%arg0: i32, %arg1: i32) -> (i32, i32) {
    %c0_i32 = arith.constant 0 : i32
    %c0_i32_0 = arith.constant 0 : i32
    %c0_i32_1 = arith.constant 0 : i32
    return %c0_i32, %c0_i32_0 : i32, i32
  }
  func.func @transform_6(%arg0: i32, %arg1: i32) -> (i32, i32) {
    %c0_i32 = arith.constant 0 : i32
    %c0_i32_0 = arith.constant 0 : i32
    %c0_i32_1 = arith.constant 0 : i32
    return %c0_i32, %c0_i32_0 : i32, i32
  }
  func.func @transform_8(%arg0: i32, %arg1: i32) -> (i32, i32) {
    %add3A = arith.constant 3 : i32
    %add3A_0 = arith.addi %add3A, %arg1 : i32
    %mul3A = arith.constant 1 : i32
    %mul3A_1 = arith.muli %add3A_0, %mul3A : i32
    %add3A_2 = arith.addi %mul3A_1, %arg0 : i32
    %c0_i32 = arith.constant 0 : i32
    %c0_i32_3 = arith.constant 0 : i32
    return %add3A_2, %c0_i32 : i32, i32
  }
}

</mosaic_0001>

<sc_bundles>
// kernel: kernel.6.cloned.1.call-start
scs
__scs_entry_jumppad:
0x0: {  	(pc) =	sbr.rel $0x88, $3  }
0x1: {  	(tag) =	ssettag $0x0;
	lr =	simm.s32 $0x1  }
0x2: {  	[smem:$0x3F97] =	sst lr;
	_ =	strace $0xD0000000  }
0x3: {  	_ = 	snop  }
0x4: {  	_ = 	snop  }
0x5: {  	_ = 	snop  }
0x6: {  	_ = 	snop  }
0x7: {  	_ = 	snop  }
__scs_overlays_trampoline_lowered:
0x8: {  	[smem:$0x3FA6] =	sst s0  }
0x9: {  	[smem:$0x3FA7] =	sst s1  }
0xa: {  	[smem:$0x3FA8] =	sst s2  }
0xb: {  	[smem:$0x3FA9] =	sst s3  }
0xc: {  	[smem:$0x3FAA] =	sst s4  }
0xd: {  	[smem:$0x3FAB] =	sst s5  }
0xe: {  	[smem:$0x3FAC] =	sst s6  }
0xf: {  	[smem:$0x3FAD] =	sst s7  }
0x10: {  	[smem:$0x3FAE] =	sst s8  }
0x11: {  	[smem:$0x3FAF] =	sst s9;
	s0 =	simm.s32 @!p0 $0x0  }
0x12: {  	s1 =	sld [smem:$0x3F95];
	s0 =	simm.s32 @p0 $0x1  }
0x13: {  	[smem:$0x3FB0] =	sst s0;
	s0 =	simm.s32 @!p1 $0x0  }
0x14: {  	s2 =	sld [smem:$0x3F94];
	s0 =	simm.s32 @p1 $0x1  }
0x15: {  	[smem:$0x3FB1] =	sst s0;
	s0 =	simm.s32 @!p2 $0x0  }
0x16: {  	s3 =	sld [smem:$0x3FDB];
	s0 =	simm.s32 @p2 $0x1  }
0x17: {  	s4 =	simm.s32 $0x1BF5;
	[smem:$0x3FB3] =	sst s0  }
0x18: {  	s0 =	sld [smem:$0x3F96];
	_ =	swait.ge [sflag:s4], $0x0  }
0x19: {  	s7 =	sld [smem:$0x3F97]  }
0x1a: {  	s8 =	sadd.s32 $0xFFFFE003, lr  }
0x1b: {  	s9 =	sadd.s32 $0xFFFFFEF7, lr;
	s5 =	simm.s32 $0xFFFFFFFF;
	p2 =	slt.u32 s8, $0xFFFFF086  }
0x1c: {  	p1 =	slt.u32 s9, $0xF7A;
	s5 =	simm.s32 @!p2 $0x0  }
0x1d: {  	s5 =	simm.s32 @p1 $0x1;
	p0 =	seq.s32 s7, s2  }
0x1e: {  	s7 =	smul.u32 @!p0 $0xF7A, s2;
	p2 =	seq.s32 @!p0 s5, $0x0  }
0x1f: {  	s9 =	smul.u32 $0xF7A, s1;
	s8 =	simm.s32 @!p0 $0x1BF5;
	p2 =	por !p2, p0  }
0x20: {  	[sflag:s8] =	ssyncset.s32 @!p0 $0xFFFFF086;
	s6 =	sadd.s32 @!p0 s3, s7;
	s7 =	simm.s32 @!p0 $0x108  }
0x21: {  	s3 =	sadd.s32 s3, s9;
	s6 =	sadd.s32 @!p0 $0x88, s6;
	s7 =	simm.s32 @p2 $0x1082  }
0x22: {  	[simem:s7], [sflag:s8] =	dma.local @!p0 [hbm:s6], $0xF7A  }
0x23: {  	s9 =	sor.u32 $0xD0000000, s2;
	s6 =	simm.s32 $0x108;
	_ =	swait.ge @!p0 [sflag:s8], $0x0  }
0x24: {  	s3 =	sadd.s32 $0x88, s3;
	s6 =	simm.s32 @!p1 $0x1082;
	[sflag:s4] =	ssyncset.s32 $0xFFFFF086  }
0x25: {  	[simem:s6], [sflag:s4] =	dma.local [hbm:s3], $0xF7A  }
0x26: {  	[smem:$0x3F97] =	sst s1;
	(tag) =	ssettag s2;
	_ =	strace s9  }
0x27: {  	s1 =	sld [smem:$0x3FA7]  }
0x28: {  	s2 =	sld [smem:$0x3FA8]  }
0x29: {  	s4 =	sld [smem:$0x3FAA]  }
0x2a: {  	p0 =	seq.s32 s5, $0x0;
	s5 =	sld [smem:$0x3FAB]  }
0x2b: {  	s6 =	sld [smem:$0x3FAC]  }
0x2c: {  	s7 =	sld [smem:$0x3FAD]  }
0x2d: {  	s3 =	simm.s32 $0x108;
	s8 =	sld [smem:$0x3FAE]  }
0x2e: {  	s3 =	simm.s32 @!p0 $0x1082;
	s9 =	sld [smem:$0x3FAF]  }
0x2f: {  	lr =	sadd.s32 s0, s3;
	s0 =	sld [smem:$0x3FA6]  }
0x30: {  	s3 =	sld [smem:$0x3FA9]  }
0x31: {  	[smem:$0x3FB2] =	sst s10  }
0x32: {  	s10 =	sld [smem:$0x3FB0];
	_ =	sdelay $0x3  }
0x33: {  	p0 =	seq.s32 s10, $0x1;
	s10 =	sld [smem:$0x3FB2];
	_ =	sdelay $0x3  }
0x34: {  	[smem:$0x3FB2] =	sst s10  }
0x35: {  	s10 =	sld [smem:$0x3FB1];
	_ =	sdelay $0x3  }
0x36: {  	p1 =	seq.s32 s10, $0x1;
	s10 =	sld [smem:$0x3FB2];
	_ =	sdelay $0x3  }
0x37: {  	[smem:$0x3FB2] =	sst s10  }
0x38: {  	s10 =	sld [smem:$0x3FB3]  }
0x39: {  	_ = 	snop;
	(pc) =	sbr.ind lr, $3  }
0x3a: {  	_ = 	snop  }
0x3b: {  	_ = 	snop  }
0x3c: {  	p2 =	seq.s32 s10, $0x1;
	s10 =	sld [smem:$0x3FB2]  }
0x3d: {  	_ =	shalt  }
0x3e: {  	_ =	shalt  }
0x3f: {  	_ =	shalt  }
0x40: {  	_ =	shalt  }
0x41: {  	_ =	shalt  }
0x42: {  	_ =	shalt  }
0x43: {  	_ =	shalt  }
0x44: {  	_ =	shalt  }
0x45: {  	_ =	shalt  }
0x46: {  	_ =	shalt  }
0x47: {  	_ =	shalt  }
0x48: {  	_ =	shalt  }
0x49: {  	_ =	shalt  }
0x4a: {  	_ =	shalt  }
0x4b: {  	_ =	shalt  }
0x4c: {  	_ =	shalt  }
0x4d: {  	_ =	shalt  }
0x4e: {  	_ =	shalt  }
0x4f: {  	_ =	shalt  }
0x50: {  	_ =	shalt  }
0x51: {  	_ =	shalt  }
0x52: {  	_ =	shalt  }
0x53: {  	_ =	shalt  }
0x54: {  	_ =	shalt  }
0x55: {  	_ =	shalt  }
0x56: {  	_ =	shalt  }
0x57: {  	_ =	shalt  }
0x58: {  	_ =	shalt  }
0x59: {  	_ =	shalt  }
0x5a: {  	_ =	shalt  }
0x5b: {  	_ =	shalt  }
0x5c: {  	_ =	shalt  }
0x5d: {  	_ =	shalt  }
0x5e: {  	_ =	shalt  }
0x5f: {  	_ =	shalt  }
0x60: {  	_ =	shalt  }
0x61: {  	_ =	shalt  }
0x62: {  	_ =	shalt  }
0x63: {  	_ =	shalt  }
0x64: {  	_ =	shalt  }
0x65: {  	_ =	shalt  }
0x66: {  	_ =	shalt  }
0x67: {  	_ =	shalt  }
0x68: {  	_ =	shalt  }
0x69: {  	_ =	shalt  }
0x6a: {  	_ =	shalt  }
0x6b: {  	_ =	shalt  }
0x6c: {  	_ =	shalt  }
0x6d: {  	_ =	shalt  }
0x6e: {  	_ =	shalt  }
0x6f: {  	_ =	shalt  }
0x70: {  	_ =	shalt  }
0x71: {  	_ =	shalt  }
0x72: {  	_ =	shalt  }
0x73: {  	_ =	shalt  }
0x74: {  	_ =	shalt  }
0x75: {  	_ =	shalt  }
0x76: {  	_ =	shalt  }
0x77: {  	_ =	shalt  }
0x78: {  	_ =	shalt  }
0x79: {  	_ =	shalt  }
0x7a: {  	_ =	shalt  }
0x7b: {  	_ =	shalt  }
0x7c: {  	_ =	shalt  }
0x7d: {  	_ =	shalt  }
0x7e: {  	_ =	shalt  }
0x7f: {  	_ =	shalt  }
0x80: {  	_ =	shalt  }
0x81: {  	_ =	shalt  }
0x82: {  	_ =	shalt  }
0x83: {  	_ =	shalt  }
0x84: {  	_ =	shalt  }
0x85: {  	_ =	shalt  }
0x86: {  	_ =	shalt  }
0x87: {  	_ =	shalt  }
.Lfunc_end0:
.L_simem_size_0:
called_computation_lowered:
.L_overlay_start_0:
0x88: {  	s2 =	sld [smem:$0x3FD9]  }
0x89: {  	s3 =	sld [smem:$0x3FFE];
	_ =	sdelay $0x1  }
0x8a: {  	s1 =	srdreg.scid  }
0x8b: {  	s0 =	sand.u32 $0x1, s1  }
0x8c: {  	s17 =	sshll.u32 s0, $0xA;
	s2 =	sadd.s32 s3, s2  }
0x8d: {  	s2 =	sadd.s32 s2, s17  }
0x8e: {  	[smem:$0x3FBE] =	sst s2  }
0x8f: {  	_ = 	snop  }
0x90: {  	s2 =	sld [smem:$0x3FC7]  }
0x91: {  	s18 =	sld [smem:$0x3FC6]  }
0x92: {  	s4 =	sld [smem:$0x3FD0];
	(tm) =	ssettm $0x1  }
0x93: {  	s5 =	sld [smem:$0x3FFB];
	_ =	sdelay $0x3  }
0x94: {  	_ =	strace s5  }
0x95: {  	s5 =	sld [smem:$0x3FFC];
	_ =	sdelay $0x3  }
0x96: {  	_ =	strace s5  }
0x97: {  	s5 =	sld [smem:$0x3FFD];
	_ =	sdelay $0x3  }
0x98: {  	_ =	strace s5  }
0x99: {  	_ =	strace $0x8FFFFFFF  }
0x9a: {  	s19 =	sld [smem:$0x3FDB];
	_ =	sdelay $0x1  }
0x9b: {  	s6 =	simm.s32 $_scs_section_size  }
0x9c: {  	s7 =	simm.s32 $_size__tile_overlayer_lowered;
	s8 =	simm.s32 $_tile_overlayer_lowered  }
0x9d: {  	s22 =	simm.s32 $0x1BFF;
	s21 =	sshll.u32 s8, $0x1;
	s5 =	sadd.s32 s6, s19  }
0x9e: {  	s9 =	simm.s32 $0x0;
	s20 =	sshll.u32 s7, $0x1;
	s7 =	sadd.s32 s21, s5  }
0x9f: {  	[timem:s9], [sflag:s22] =	dma.local [hbm:s7], s20  }
0xa0: {  	_ =	swait.ge [sflag:s22], s20  }
0xa1: {  	s6 =	ssub.s32 $0x0, s20;
	[sflag:s22] =	ssyncset.done $0x0  }
0xa2: {  	[sflag:s22] =	ssyncadd.s32 s6;
	_ =	sdelay $0x1  }
0xa3: {  	s23 =	simm.s32 $0x1B8B  }
0xa4: {  	_ =	swait.ge [sflag:s23], $0x1  }
0xa5: {  	[sflag:s23] =	ssyncset.done $0x0  }
0xa6: {  	s25 =	simm.s32 $0x1B8E;
	s24 =	sld [smem:$0x3FFE];
	[sflag:s23] =	ssyncadd.s32 $0xFFFFFFFF  }
0xa7: {  	s26 =	simm.s32 $execute0_lowered;
	[smem:$0x3FD2] =	sst s25  }
0xa8: {  	s7 =	sshll.u32 s26, $0x1;
	_ =	strace $0x80000046;
	[dreg:$0x1] =	wrdreg $0xFFFFFFFF  }
0xa9: {  	s28 =	simm.s32 $_size_execute0_lowered;
	s5 =	sadd.s32 s5, s7;
	[dreg:$0x0] =	wrdreg $0x0  }
0xaa: {  	s7 =	sshll.u32 s28, $0x1;
	[dreg:$0x2] =	wrdreg s5  }
0xab: {  	[dreg:$0x3] =	wrdreg s7  }
0xac: {  	[dreg:$0x4] =	wrdreg $0xC0  }
0xad: {  	_ =	task [dreg:s9], $0x5FFFF  }
0xae: {  	[dreg:$0x1] =	wrdreg $0xFFFFFFFF  }
0xaf: {  	[dreg:$0x0] =	wrdreg $0x60  }
0xb0: {  	[dreg:$0x2] =	wrdreg s24  }
0xb1: {  	[dreg:$0x3] =	wrdreg s2  }
0xb2: {  	[dreg:$0x4] =	wrdreg s18  }
0xb3: {  	[dreg:$0x5] =	wrdreg s4  }
0xb4: {  	[dreg:$0x6] =	wrdreg $0x9  }
0xb5: {  	_ =	task.clear_ibuf [dreg:s9], $0x7FFFF;
	_ =	strace $0x90000046  }
0xb6: {  	s29 =	simm.s32 $0x9;
	_ =	strace $0x80000048  }
0xb7: {  	_ =	swait.ge [sflag:s29], $0x1  }
0xb8: {  	[sflag:s29] =	ssyncadd.s32 $0xFFFFFFFF  }
0xb9: {  	_ =	strace $0x90000048  }
0xba: {  	_ =	sfence  }
0xbb: {  	s30 =	sld [smem:$0x0];
	_ =	sdelay $0x2  }
0xbc: {  	s31 =	sshll.u32 s1, $0xD;
	s1 =	sshrl.u32 s1, $0x2  }
0xbd: {  	s3 =	sand.u32 $0x4000, s31;
	s1 =	sadd.s32 s1, s30  }
0xbe: {  	s0 =	sor.u32 s3, s0;
	s1 =	sshll.u32 s1, $0x11  }
0xbf: {  	s0 =	sor.u32 s1, s0  }
0xc0: {  	s0 =	sadd.s32 $0x8F2B, s0  }
0xc1: {  	[sflag:s0] =	ssyncadd.remote.s32 $0x1  }
0xc2: {  	_ =	sfence.sel $0xFFFF  }
0xc3: {  	[dreg:$0x0] =	wrdreg $0xFFFFFFFF;
	(pc) =	sbr.abs _section_cstart, $3  }
0xc4: {  	[dreg:$0x1] =	wrdreg $0xFFFFFFFF  }
0xc5: {  	_ =	task.clear_ibuf [dreg:s9], $0x2FFFF;
	_ =	strace $0x9FFFFFFF  }
0xc6: {  	(tm) =	ssettm $0x7FFFFFFF  }
0xc7: {  	_ =	shalt  }
tec
execute0_lowered:
.L_overlay_start_1:
0x0: {  	(tag) =	ssettag $0x1  }
0x1: {  	s0 =	srdreg.scid;
	s1 =	stileid.u32  }
0x2: {  	s0 =	sand.u32 $0x1, s0;
	s1 =	sshll.u32 s1, $0x1  }
0x3: {  	s1 =	sor.u32 s0, s1  }
0x4: {  	s3 =	rddreg [dreg:$0x0];
	s4 =	smul.u32 $0xC0, s1  }
0x5: {  	s2 =	rddreg [dreg:$0x1];
	s21 =	smul.u32 $0xC00, s1  }
0x6: {  	s5 =	rddreg [dreg:$0x3];
	s6 =	sshrl.u32 s4, $0x3;
	s4 =	simm.s32 $0x0  }
0x7: {  	s1 =	smul.u32 $0x6000, s1;
	s24 =	sadd.s32 s5, s21;
	[smem:$0x7FF] =	sst s4  }
0x8: {  	s25 =	simm.s32 $0xCA00;
	_ =	strace $0x80000047;
	[dreg:$0x9] =	wrdreg s24  }
0x9: {  	s26 =	simm.s32 $0xD200;
	s1 =	sshrl.u32 s1, $0x3;
	[dreg:$0xc] =	wrdreg s25  }
0xa: {  	s1 =	sadd.s32 s5, s1;
	s5 =	simm.s32 $0xE200;
	[dreg:$0xd] =	wrdreg s26  }
0xb: {  	s8 =	simm.s32 $0xF200;
	[dreg:$0xf] =	wrdreg s5  }
0xc: {  	s9 =	simm.s32 $0xFA00;
	[dreg:$0x11] =	wrdreg s8  }
0xd: {  	s10 =	simm.s32 $0x10200;
	[dreg:$0x12] =	wrdreg s9  }
0xe: {  	s11 =	simm.s32 $0x10A00;
	[dreg:$0x13] =	wrdreg s10  }
0xf: {  	s12 =	simm.s32 $0x11200;
	s13 =	simm.s32 $0x11A00;
	[dreg:$0x14] =	wrdreg s11  }
0x10: {  	s14 =	simm.s32 $0x12200;
	s15 =	simm.s32 $0x12A00;
	[dreg:$0x15] =	wrdreg s12  }
0x11: {  	s16 =	simm.s32 $0x13200;
	s17 =	simm.s32 $0x13A00;
	[dreg:$0x16] =	wrdreg s13  }
0x12: {  	s18 =	simm.s32 $0x14200;
	s19 =	simm.s32 $0x14A00;
	[dreg:$0x17] =	wrdreg s14  }
0x13: {  	s28 =	simm.s32 $0x3200;
	s29 =	simm.s32 $0x3A00;
	[dreg:$0x18] =	wrdreg s15  }
0x14: {  	s30 =	simm.s32 $0x4200;
	s31 =	simm.s32 $0x4A00;
	[dreg:$0x19] =	wrdreg s16  }
0x15: {  	s0 =	ssub.s32 $0x2, s0;
	s21 =	simm.s32 $0x15A00;
	[dreg:$0x1a] =	wrdreg s17  }
0x16: {  	s7 =	smul.u32 $0x300, s6;
	s6 =	sadd.s32 s6, s3;
	[dreg:$0x1b] =	wrdreg s18  }
0x17: {  	s20 =	sadd.s32 $0x1E00, s6;
	s6 =	sadd.s32 $0x2200, s6;
	[dreg:$0x1c] =	wrdreg s19  }
0x18: {  	s1 =	sadd.s32 $0x600, s1;
	s5 =	sadd.s32 $0x100, s2;
	[dreg:$0x1e] =	wrdreg s21  }
0x19: {  	s24 =	simm.s32 $0x17200;
	s25 =	simm.s32 $0x17A00;
	s26 =	simm.s32 $0x160  }
0x1a: {  	s13 =	simm.s32 $0x2;
	s15 =	simm.s32 $0x4;
	s16 =	simm.s32 $0x6  }
0x1b: {  	s17 =	simm.s32 $0x7;
	s12 =	simm.s32 $0x200;
	[dreg:$0x5] =	wrdreg s20  }
0x1c: {  	s8 =	simm.s32 $0x6A00;
	s11 =	simm.s32 $0x7200;
	[dreg:$0x6] =	wrdreg s6  }
0x1d: {  	s14 =	simm.s32 $0x7A00;
	s18 =	simm.s32 $0x8200;
	[dreg:$0xb] =	wrdreg s1  }
0x1e: {  	s10 =	simm.s32 $0x8A00;
	s9 =	simm.s32 $0x18200;
	[smem:$0x7FB] =	sst s24  }
0x1f: {  	s3 =	sadd.s32 s7, s3;
	s6 =	sshrl.u32 s0, $0x1;
	[smem:$0x7FC] =	sst s25  }
0x20: {  	s7 =	simm.s32 $0xEA00;
	s20 =	simm.s32 $0x15200;
	[smem:$0x7FD] =	sst s26  }
0x21: {  	s24 =	simm.s32 $0x1A00;
	s25 =	simm.s32 $0x2200;
	[dreg:$0x10] =	wrdreg s7  }
0x22: {  	s26 =	simm.s32 $0x2A00;
	s22 =	sadd.s32 $0x2600, s3;
	[dreg:$0x1d] =	wrdreg s20  }
0x23: {  	s1 =	simm.s32 $0x60;
	s23 =	sadd.s32 $0x3E00, s3;
	[dreg:$0x7] =	wrdreg s22  }
0x24: {  	s3 =	sadd.s32 $0x5600, s3;
	s0 =	ssub.s32 s0, s6;
	[dreg:$0x8] =	wrdreg s23  }
0x25: {  	s6 =	sadd.s32 $0x200, s2;
	[dreg:$0xa] =	wrdreg s3;
	s3 =	simm.s32 $0xDA00  }
0x26: {  	v2 =	vlaneseq.u32;
	s7 =	smax.u32 s0, $0x1;
	s22 =	simm.s32 $0x16200;
	[dreg:$0xe] =	wrdreg s3  }
0x27: {  	vm0 =	vmmov $0xffff;
	v1 =	vshrl.u32 v2, $0x3;
	s23 =	simm.s32 $0x16A00;
	s3 =	simm.s32 $0x1;
	[dreg:$0x1f] =	wrdreg s22  }
0x28: {  	v0 =	vand.u32 $0x7, v2;
	v2 =	vor.u32 $0x8, v2;
	v1 =	vmul.u32 $0x8, v1;
	[smem:$0x7FA] =	sst s23;
	s22 =	simm.s32 $0xA00;
	s23 =	simm.s32 $0x1200  }
.LBB2_1:
0x29: {  	s19 =	rddreg [dreg:$0x5]  }
0x2a: {  	[tilespmem:s4], [sflag:$0x1] =	stream.linear.gather [hbm4b:s19+s4], $0xC0, $0x38;
	[tilespmem:$0x1B200] =	vst v63  }
0x2b: {  	s20 =	rddreg [dreg:$0x6];
	s21 =	simm.s32 $0x100  }
0x2c: {  	[tilespmem:s21], [sflag:$0x1] =	stream.linear.gather [hbm4b:s20+s4], $0xC0, $0x38;
	[tilespmem:$0x1B200] =	vst v63  }
0x2d: {  	_ =	swait.ge [sflag:s3], $0xC0  }
0x2e: {  	[sflag:s3] =	ssyncset.done $0x0  }
0x2f: {  	[sflag:s3] =	ssyncadd.s32 $0xFFFFFF40  }
0x30: {  	_ =	swait.ge [sflag:s3], $0xC0  }
0x31: {  	[sflag:s3] =	ssyncset.done $0x0  }
0x32: {  	[sflag:s3] =	ssyncadd.s32 $0xFFFFFF40  }
0x33: {  	v3 =	vld [tilespmem:$0x0];
	_ =	sdelay $0x4  }
0x34: {  	v4 =	vshrl.u32 v3, $0x3  }
0x35: {  	v4 =	vmul.u32 $0x30, v4  }
0x36: {  	v3 =	vand.u32 $0x7, v3  }
0x37: {  	v3 =	vor.u32 v3, v4  }
0x38: {  	v4 =	vperm.xlane v3, v0;
	_ =	sdelay $0x1  }
0x39: {  	v4 =	vadd.s32 v1, v4;
	_ =	sdelay $0x3  }
0x3a: {  	v3 =	vperm.xlane v3, v2  }
0x3b: {  	[tilespmem:s12], [sflag:$0x2] =	stream.indirect_vreg.gather [hbm4b:s2+s4], $0x80, v4, vm0, $0xb8;
	[tilespmem:$0x1B200] =	vst v63  }
0x3c: {  	v3 =	vadd.s32 v1, v3  }
0x3d: {  	[tilespmem:s22], [sflag:$0x2] =	stream.indirect_vreg.gather [hbm4b:s5+s4], $0x80, v4, vm0, $0xb8;
	[tilespmem:$0x1B200] =	vst v63  }
0x3e: {  	_ = 	snop  }
0x3f: {  	[tilespmem:s23], [sflag:$0x2] =	stream.indirect_vreg.gather [hbm4b:s6+s4], $0x80, v4, vm0, $0xb8;
	[tilespmem:$0x1B200] =	vst v63  }
0x40: {  	_ = 	snop  }
0x41: {  	[tilespmem:s24], [sflag:$0x2] =	stream.indirect_vreg.gather [hbm4b:s2+s4], $0x80, v3, vm0, $0xb8;
	[tilespmem:$0x1B200] =	vst v63  }
0x42: {  	_ = 	snop  }
0x43: {  	[tilespmem:s25], [sflag:$0x2] =	stream.indirect_vreg.gather [hbm4b:s5+s4], $0x80, v3, vm0, $0xb8;
	[tilespmem:$0x1B200] =	vst v63  }
0x44: {  	_ = 	snop  }
0x45: {  	[tilespmem:s26], [sflag:$0x2] =	stream.indirect_vreg.gather [hbm4b:s6+s4], $0x80, v3, vm0, $0xb8;
	[tilespmem:$0x1B200] =	vst v63  }
0x46: {  	v3 =	vld [tilespmem:$0x10];
	_ =	sdelay $0x4  }
0x47: {  	v53 =	vshrl.u32 v3, $0x3  }
0x48: {  	v4 =	vmul.u32 $0x30, v53  }
0x49: {  	v3 =	vand.u32 $0x7, v3  }
0x4a: {  	v3 =	vor.u32 v3, v4  }
0x4b: {  	v4 =	vperm.xlane v3, v0;
	_ =	sdelay $0x1  }
0x4c: {  	v4 =	vadd.s32 v1, v4;
	_ =	sdelay $0x3  }
0x4d: {  	v3 =	vperm.xlane v3, v2  }
0x4e: {  	[tilespmem:s28], [sflag:$0x2] =	stream.indirect_vreg.gather [hbm4b:s2+s4], $0x80, v4, vm0, $0xb8;
	[tilespmem:$0x1B200] =	vst v63  }
0x4f: {  	v3 =	vadd.s32 v1, v3  }
0x50: {  	[tilespmem:s29], [sflag:$0x2] =	stream.indirect_vreg.gather [hbm4b:s5+s4], $0x80, v4, vm0, $0xb8;
	[tilespmem:$0x1B200] =	vst v63  }
0x51: {  	_ = 	snop  }
0x52: {  	[tilespmem:s30], [sflag:$0x2] =	stream.indirect_vreg.gather [hbm4b:s6+s4], $0x80, v4, vm0, $0xb8;
	[tilespmem:$0x1B200] =	vst v63  }
0x53: {  	_ = 	snop  }
0x54: {  	[tilespmem:s31], [sflag:$0x2] =	stream.indirect_vreg.gather [hbm4b:s2+s4], $0x80, v3, vm0, $0xb8;
	[tilespmem:$0x1B200] =	vst v63  }
0x55: {  	s0 =	simm.s32 $0x5200  }
0x56: {  	[tilespmem:s0], [sflag:$0x2] =	stream.indirect_vreg.gather [hbm4b:s5+s4], $0x80, v3, vm0, $0xb8;
	[tilespmem:$0x1B200] =	vst v63  }
0x57: {  	s19 =	simm.s32 $0x5A00  }
0x58: {  	[tilespmem:s19], [sflag:$0x2] =	stream.indirect_vreg.gather [hbm4b:s6+s4], $0x80, v3, vm0, $0xb8;
	[tilespmem:$0x1B200] =	vst v63  }
0x59: {  	v3 =	vld [tilespmem:$0x20];
	_ =	sdelay $0x4  }
0x5a: {  	v54 =	vshrl.u32 v3, $0x3  }
0x5b: {  	v4 =	vmul.u32 $0x30, v54  }
0x5c: {  	v3 =	vand.u32 $0x7, v3  }
0x5d: {  	v3 =	vor.u32 v3, v4  }
0x5e: {  	v4 =	vperm.xlane v3, v0;
	_ =	sdelay $0x1  }
0x5f: {  	v4 =	vadd.s32 v1, v4;
	_ =	sdelay $0x3  }
0x60: {  	s20 =	simm.s32 $0x6200;
	v3 =	vperm.xlane v3, v2  }
0x61: {  	[tilespmem:s20], [sflag:$0x2] =	stream.indirect_vreg.gather [hbm4b:s2+s4], $0x80, v4, vm0, $0xb8;
	[tilespmem:$0x1B200] =	vst v63  }
0x62: {  	v3 =	vadd.s32 v1, v3  }
0x63: {  	[tilespmem:s8], [sflag:$0x2] =	stream.indirect_vreg.gather [hbm4b:s5+s4], $0x80, v4, vm0, $0xb8;
	[tilespmem:$0x1B200] =	vst v63  }
0x64: {  	_ = 	snop  }
0x65: {  	[tilespmem:s11], [sflag:$0x2] =	stream.indirect_vreg.gather [hbm4b:s6+s4], $0x80, v4, vm0, $0xb8;
	[tilespmem:$0x1B200] =	vst v63  }
0x66: {  	_ = 	snop  }
0x67: {  	[tilespmem:s14], [sflag:$0x2] =	stream.indirect_vreg.gather [hbm4b:s2+s4], $0x80, v3, vm0, $0xb8;
	[tilespmem:$0x1B200] =	vst v63  }
0x68: {  	_ = 	snop  }
0x69: {  	[tilespmem:s18], [sflag:$0x2] =	stream.indirect_vreg.gather [hbm4b:s5+s4], $0x80, v3, vm0, $0xb8;
	[tilespmem:$0x1B200] =	vst v63  }
0x6a: {  	_ = 	snop  }
0x6b: {  	[tilespmem:s10], [sflag:$0x2] =	stream.indirect_vreg.gather [hbm4b:s6+s4], $0x80, v3, vm0, $0xb8;
	[tilespmem:$0x1B200] =	vst v63  }
0x6c: {  	v3 =	vld [tilespmem:$0x30];
	_ =	sdelay $0x4  }
0x6d: {  	v55 =	vshrl.u32 v3, $0x3  }
0x6e: {  	v4 =	vmul.u32 $0x30, v55  }
0x6f: {  	v3 =	vand.u32 $0x7, v3  }
0x70: {  	v3 =	vor.u32 v3, v4  }
0x71: {  	v4 =	vperm.xlane v3, v0;
	_ =	sdelay $0x1  }
0x72: {  	v4 =	vadd.s32 v1, v4;
	_ =	sdelay $0x3  }
0x73: {  	s19 =	simm.s32 $0x9200;
	v3 =	vperm.xlane v3, v2  }
0x74: {  	[tilespmem:s19], [sflag:$0x2] =	stream.indirect_vreg.gather [hbm4b:s2+s4], $0x80, v4, vm0, $0xb8;
	[tilespmem:$0x1B200] =	vst v63  }
0x75: {  	s20 =	simm.s32 $0x9A00;
	v3 =	vadd.s32 v1, v3  }
0x76: {  	[tilespmem:s20], [sflag:$0x2] =	stream.indirect_vreg.gather [hbm4b:s5+s4], $0x80, v4, vm0, $0xb8;
	[tilespmem:$0x1B200] =	vst v63  }
0x77: {  	s19 =	simm.s32 $0xA200  }
0x78: {  	[tilespmem:s19], [sflag:$0x2] =	stream.indirect_vreg.gather [hbm4b:s6+s4], $0x80, v4, vm0, $0xb8;
	[tilespmem:$0x1B200] =	vst v63  }
0x79: {  	s20 =	simm.s32 $0xAA00  }
0x7a: {  	[tilespmem:s20], [sflag:$0x2] =	stream.indirect_vreg.gather [hbm4b:s2+s4], $0x80, v3, vm0, $0xb8;
	[tilespmem:$0x1B200] =	vst v63  }
0x7b: {  	s19 =	simm.s32 $0xB200  }
0x7c: {  	[tilespmem:s19], [sflag:$0x2] =	stream.indirect_vreg.gather [hbm4b:s5+s4], $0x80, v3, vm0, $0xb8;
	[tilespmem:$0x1B200] =	vst v63  }
0x7d: {  	s20 =	simm.s32 $0xBA00  }
0x7e: {  	[tilespmem:s20], [sflag:$0x2] =	stream.indirect_vreg.gather [hbm4b:s6+s4], $0x80, v3, vm0, $0xb8;
	[tilespmem:$0x1B200] =	vst v63  }
0x7f: {  	v3 =	vld [tilespmem:$0x40];
	_ =	sdelay $0x4  }
0x80: {  	v56 =	vshrl.u32 v3, $0x3  }
0x81: {  	v4 =	vmul.u32 $0x30, v56  }
0x82: {  	v3 =	vand.u32 $0x7, v3  }
0x83: {  	v3 =	vor.u32 v3, v4  }
0x84: {  	v4 =	vperm.xlane v3, v0;
	_ =	sdelay $0x1  }
0x85: {  	v4 =	vadd.s32 v1, v4;
	_ =	sdelay $0x3  }
0x86: {  	s0 =	simm.s32 $0xC200;
	v3 =	vperm.xlane v3, v2  }
0x87: {  	[tilespmem:s0], [sflag:$0x3] =	stream.indirect_vreg.gather [hbm4b:s2+s4], $0x80, v4, vm0, $0xb8;
	[tilespmem:$0x1B200] =	vst v63  }
0x88: {  	s19 =	rddreg [dreg:$0xc];
	v3 =	vadd.s32 v1, v3  }
0x89: {  	[tilespmem:s19], [sflag:$0x3] =	stream.indirect_vreg.gather [hbm4b:s5+s4], $0x80, v4, vm0, $0xb8;
	[tilespmem:$0x1B200] =	vst v63  }
0x8a: {  	s20 =	rddreg [dreg:$0xd]  }
0x8b: {  	[tilespmem:s20], [sflag:$0x3] =	stream.indirect_vreg.gather [hbm4b:s6+s4], $0x80, v4, vm0, $0xb8;
	[tilespmem:$0x1B200] =	vst v63  }
0x8c: {  	s19 =	rddreg [dreg:$0xe]  }
0x8d: {  	[tilespmem:s19], [sflag:$0x3] =	stream.indirect_vreg.gather [hbm4b:s2+s4], $0x80, v3, vm0, $0xb8;
	[tilespmem:$0x1B200] =	vst v63  }
0x8e: {  	s20 =	rddreg [dreg:$0xf]  }
0x8f: {  	[tilespmem:s20], [sflag:$0x3] =	stream.indirect_vreg.gather [hbm4b:s5+s4], $0x80, v3, vm0, $0xb8;
	[tilespmem:$0x1B200] =	vst v63  }
0x90: {  	s19 =	rddreg [dreg:$0x10]  }
0x91: {  	[tilespmem:s19], [sflag:$0x3] =	stream.indirect_vreg.gather [hbm4b:s6+s4], $0x80, v3, vm0, $0xb8;
	[tilespmem:$0x1B200] =	vst v63  }
0x92: {  	v3 =	vld [tilespmem:$0x50];
	_ =	sdelay $0x4  }
0x93: {  	v57 =	vshrl.u32 v3, $0x3  }
0x94: {  	v4 =	vmul.u32 $0x30, v57  }
0x95: {  	v3 =	vand.u32 $0x7, v3  }
0x96: {  	v3 =	vor.u32 v3, v4  }
0x97: {  	v4 =	vperm.xlane v3, v0;
	_ =	sdelay $0x1  }
0x98: {  	v4 =	vadd.s32 v1, v4;
	_ =	sdelay $0x3  }
0x99: {  	s19 =	rddreg [dreg:$0x11];
	v3 =	vperm.xlane v3, v2  }
0x9a: {  	[tilespmem:s19], [sflag:$0x3] =	stream.indirect_vreg.gather [hbm4b:s2+s4], $0x80, v4, vm0, $0xb8;
	[tilespmem:$0x1B200] =	vst v63  }
0x9b: {  	s20 =	rddreg [dreg:$0x12];
	v3 =	vadd.s32 v1, v3  }
0x9c: {  	[tilespmem:s20], [sflag:$0x3] =	stream.indirect_vreg.gather [hbm4b:s5+s4], $0x80, v4, vm0, $0xb8;
	[tilespmem:$0x1B200] =	vst v63  }
0x9d: {  	s19 =	rddreg [dreg:$0x13]  }
0x9e: {  	[tilespmem:s19], [sflag:$0x3] =	stream.indirect_vreg.gather [hbm4b:s6+s4], $0x80, v4, vm0, $0xb8;
	[tilespmem:$0x1B200] =	vst v63  }
0x9f: {  	s20 =	rddreg [dreg:$0x14]  }
0xa0: {  	[tilespmem:s20], [sflag:$0x3] =	stream.indirect_vreg.gather [hbm4b:s2+s4], $0x80, v3, vm0, $0xb8;
	[tilespmem:$0x1B200] =	vst v63  }
0xa1: {  	s19 =	rddreg [dreg:$0x15]  }
0xa2: {  	[tilespmem:s19], [sflag:$0x3] =	stream.indirect_vreg.gather [hbm4b:s5+s4], $0x80, v3, vm0, $0xb8;
	[tilespmem:$0x1B200] =	vst v63  }
0xa3: {  	s20 =	rddreg [dreg:$0x16]  }
0xa4: {  	[tilespmem:s20], [sflag:$0x3] =	stream.indirect_vreg.gather [hbm4b:s6+s4], $0x80, v3, vm0, $0xb8;
	[tilespmem:$0x1B200] =	vst v63  }
0xa5: {  	v3 =	vld [tilespmem:$0x60];
	_ =	sdelay $0x4  }
0xa6: {  	v58 =	vshrl.u32 v3, $0x3  }
0xa7: {  	v4 =	vmul.u32 $0x30, v58  }
0xa8: {  	v3 =	vand.u32 $0x7, v3  }
0xa9: {  	v3 =	vor.u32 v3, v4  }
0xaa: {  	v4 =	vperm.xlane v3, v0;
	_ =	sdelay $0x1  }
0xab: {  	v4 =	vadd.s32 v1, v4;
	_ =	sdelay $0x3  }
0xac: {  	s19 =	rddreg [dreg:$0x17];
	v3 =	vperm.xlane v3, v2  }
0xad: {  	[tilespmem:s19], [sflag:$0x3] =	stream.indirect_vreg.gather [hbm4b:s2+s4], $0x80, v4, vm0, $0xb8;
	[tilespmem:$0x1B200] =	vst v63  }
0xae: {  	s20 =	rddreg [dreg:$0x18];
	v3 =	vadd.s32 v1, v3  }
0xaf: {  	[tilespmem:s20], [sflag:$0x3] =	stream.indirect_vreg.gather [hbm4b:s5+s4], $0x80, v4, vm0, $0xb8;
	[tilespmem:$0x1B200] =	vst v63  }
0xb0: {  	s19 =	rddreg [dreg:$0x19]  }
0xb1: {  	[tilespmem:s19], [sflag:$0x3] =	stream.indirect_vreg.gather [hbm4b:s6+s4], $0x80, v4, vm0, $0xb8;
	[tilespmem:$0x1B200] =	vst v63  }
0xb2: {  	s20 =	rddreg [dreg:$0x1a]  }
0xb3: {  	[tilespmem:s20], [sflag:$0x3] =	stream.indirect_vreg.gather [hbm4b:s2+s4], $0x80, v3, vm0, $0xb8;
	[tilespmem:$0x1B200] =	vst v63  }
0xb4: {  	s19 =	rddreg [dreg:$0x1b]  }
0xb5: {  	[tilespmem:s19], [sflag:$0x3] =	stream.indirect_vreg.gather [hbm4b:s5+s4], $0x80, v3, vm0, $0xb8;
	[tilespmem:$0x1B200] =	vst v63  }
0xb6: {  	s20 =	rddreg [dreg:$0x1c]  }
0xb7: {  	[tilespmem:s20], [sflag:$0x3] =	stream.indirect_vreg.gather [hbm4b:s6+s4], $0x80, v3, vm0, $0xb8;
	[tilespmem:$0x1B200] =	vst v63  }
0xb8: {  	v3 =	vld [tilespmem:$0x70];
	_ =	sdelay $0x4  }
0xb9: {  	v59 =	vshrl.u32 v3, $0x3  }
0xba: {  	v4 =	vmul.u32 $0x30, v59  }
0xbb: {  	v3 =	vand.u32 $0x7, v3  }
0xbc: {  	v3 =	vor.u32 v3, v4  }
0xbd: {  	v4 =	vperm.xlane v3, v0;
	_ =	sdelay $0x1  }
0xbe: {  	v4 =	vadd.s32 v1, v4;
	_ =	sdelay $0x2  }
0xbf: {  	s19 =	rddreg [dreg:$0x1d]  }
0xc0: {  	s20 =	rddreg [dreg:$0x1e];
	v3 =	vperm.xlane v3, v2  }
0xc1: {  	[tilespmem:s19], [sflag:$0x3] =	stream.indirect_vreg.gather [hbm4b:s2+s4], $0x80, v4, vm0, $0xb8;
	[tilespmem:$0x1B200] =	vst v63  }
0xc2: {  	v3 =	vadd.s32 v1, v3;
	s19 =	rddreg [dreg:$0x1f]  }
0xc3: {  	[tilespmem:s20], [sflag:$0x3] =	stream.indirect_vreg.gather [hbm4b:s5+s4], $0x80, v4, vm0, $0xb8;
	[tilespmem:$0x1B200] =	vst v63  }
0xc4: {  	s20 =	sld [smem:$0x7FA]  }
0xc5: {  	[tilespmem:s19], [sflag:$0x3] =	stream.indirect_vreg.gather [hbm4b:s6+s4], $0x80, v4, vm0, $0xb8;
	[tilespmem:$0x1B200] =	vst v63  }
0xc6: {  	s19 =	sld [smem:$0x7FB]  }
0xc7: {  	[tilespmem:s20], [sflag:$0x3] =	stream.indirect_vreg.gather [hbm4b:s2+s4], $0x80, v3, vm0, $0xb8;
	[tilespmem:$0x1B200] =	vst v63  }
0xc8: {  	s20 =	sld [smem:$0x7FC]  }
0xc9: {  	[tilespmem:s19], [sflag:$0x3] =	stream.indirect_vreg.gather [hbm4b:s5+s4], $0x80, v3, vm0, $0xb8;
	[tilespmem:$0x1B200] =	vst v63  }
0xca: {  	_ = 	snop  }
0xcb: {  	[tilespmem:s20], [sflag:$0x3] =	stream.indirect_vreg.gather [hbm4b:s6+s4], $0x80, v3, vm0, $0xb8;
	[tilespmem:$0x1B200] =	vst v63  }
0xcc: {  	s20 =	rddreg [dreg:$0x2]  }
0xcd: {  	[tilespmem:s9], [sflag:$0x6] =	stream.indirect.gather [hbm4b:s20+s1], $0x80, s21, s1, $0xb8;
	[tilespmem:$0x1B200] =	vst v63  }
0xce: {  	_ =	swait.ge [sflag:s13], $0xC000  }
0xcf: {  	[sflag:s13] =	ssyncset.done $0x0  }
0xd0: {  	s21 =	rddreg [dreg:$0x7];
	[sflag:s13] =	ssyncadd.s32 $0xFFFF4000  }
0xd1: {  	[hbm4b:s21+s4] =	stream.linear.scatter [tilespmem:s12], [sflag:$0x4], $0xC000, $0x38;
	[tilespmem:$0x1B200] =	vst v63  }
0xd2: {  	s21 =	simm.s32 $0x3  }
0xd3: {  	_ =	swait.ge [sflag:s21], $0xC000  }
0xd4: {  	[sflag:s21] =	ssyncset.done $0x0  }
0xd5: {  	s19 =	rddreg [dreg:$0x8];
	[sflag:s21] =	ssyncadd.s32 $0xFFFF4000  }
0xd6: {  	[hbm4b:s19+s4] =	stream.linear.scatter [tilespmem:s0], [sflag:$0x5], $0xC000, $0x38;
	[tilespmem:$0x1B200] =	vst v63  }
0xd7: {  	_ =	swait.ge [sflag:s15], $0xC000  }
0xd8: {  	[sflag:s15] =	ssyncset.done $0x0  }
0xd9: {  	[sflag:s15] =	ssyncadd.s32 $0xFFFF4000  }
0xda: {  	v3 =	vld [tilespmem:$0x80];
	_ =	sdelay $0x4  }
0xdb: {  	v60 =	vshrl.u32 v3, $0x3  }
0xdc: {  	v4 =	vmul.u32 $0x30, v60  }
0xdd: {  	v3 =	vand.u32 $0x7, v3  }
0xde: {  	v3 =	vor.u32 v3, v4  }
0xdf: {  	v4 =	vperm.xlane v3, v0;
	_ =	sdelay $0x1  }
0xe0: {  	v4 =	vadd.s32 v1, v4;
	_ =	sdelay $0x3  }
0xe1: {  	v3 =	vperm.xlane v3, v2  }
0xe2: {  	[tilespmem:s12], [sflag:$0x2] =	stream.indirect_vreg.gather [hbm4b:s2+s4], $0x80, v4, vm0, $0xb8;
	[tilespmem:$0x1B200] =	vst v63  }
0xe3: {  	v3 =	vadd.s32 v1, v3  }
0xe4: {  	[tilespmem:s22], [sflag:$0x2] =	stream.indirect_vreg.gather [hbm4b:s5+s4], $0x80, v4, vm0, $0xb8;
	[tilespmem:$0x1B200] =	vst v63  }
0xe5: {  	_ = 	snop  }
0xe6: {  	[tilespmem:s23], [sflag:$0x2] =	stream.indirect_vreg.gather [hbm4b:s6+s4], $0x80, v4, vm0, $0xb8;
	[tilespmem:$0x1B200] =	vst v63  }
0xe7: {  	_ = 	snop  }
0xe8: {  	[tilespmem:s24], [sflag:$0x2] =	stream.indirect_vreg.gather [hbm4b:s2+s4], $0x80, v3, vm0, $0xb8;
	[tilespmem:$0x1B200] =	vst v63  }
0xe9: {  	_ = 	snop  }
0xea: {  	[tilespmem:s25], [sflag:$0x2] =	stream.indirect_vreg.gather [hbm4b:s5+s4], $0x80, v3, vm0, $0xb8;
	[tilespmem:$0x1B200] =	vst v63  }
0xeb: {  	_ = 	snop  }
0xec: {  	[tilespmem:s26], [sflag:$0x2] =	stream.indirect_vreg.gather [hbm4b:s6+s4], $0x80, v3, vm0, $0xb8;
	[tilespmem:$0x1B200] =	vst v63  }
0xed: {  	v3 =	vld [tilespmem:$0x90];
	_ =	sdelay $0x4  }
0xee: {  	v61 =	vshrl.u32 v3, $0x3  }
0xef: {  	v4 =	vmul.u32 $0x30, v61  }
0xf0: {  	v3 =	vand.u32 $0x7, v3  }
0xf1: {  	v3 =	vor.u32 v3, v4  }
0xf2: {  	v4 =	vperm.xlane v3, v0;
	_ =	sdelay $0x1  }
0xf3: {  	v4 =	vadd.s32 v1, v4;
	_ =	sdelay $0x3  }
0xf4: {  	v3 =	vperm.xlane v3, v2  }
0xf5: {  	[tilespmem:s28], [sflag:$0x2] =	stream.indirect_vreg.gather [hbm4b:s2+s4], $0x80, v4, vm0, $0xb8;
	[tilespmem:$0x1B200] =	vst v63  }
0xf6: {  	v3 =	vadd.s32 v1, v3  }
0xf7: {  	[tilespmem:s29], [sflag:$0x2] =	stream.indirect_vreg.gather [hbm4b:s5+s4], $0x80, v4, vm0, $0xb8;
	[tilespmem:$0x1B200] =	vst v63  }
0xf8: {  	_ = 	snop  }
0xf9: {  	[tilespmem:s30], [sflag:$0x2] =	stream.indirect_vreg.gather [hbm4b:s6+s4], $0x80, v4, vm0, $0xb8;
	[tilespmem:$0x1B200] =	vst v63  }
0xfa: {  	_ = 	snop  }
0xfb: {  	[tilespmem:s31], [sflag:$0x2] =	stream.indirect_vreg.gather [hbm4b:s2+s4], $0x80, v3, vm0, $0xb8;
	[tilespmem:$0x1B200] =	vst v63  }
0xfc: {  	s21 =	simm.s32 $0x5200  }
0xfd: {  	[tilespmem:s21], [sflag:$0x2] =	stream.indirect_vreg.gather [hbm4b:s5+s4], $0x80, v3, vm0, $0xb8;
	[tilespmem:$0x1B200] =	vst v63  }
0xfe: {  	s19 =	simm.s32 $0x5A00  }
0xff: {  	[tilespmem:s19], [sflag:$0x2] =	stream.indirect_vreg.gather [hbm4b:s6+s4], $0x80, v3, vm0, $0xb8;
	[tilespmem:$0x1B200] =	vst v63  }
0x100: {  	v3 =	vld [tilespmem:$0xA0];
	_ =	sdelay $0x4  }
0x101: {  	v62 =	vshrl.u32 v3, $0x3  }
0x102: {  	v4 =	vmul.u32 $0x30, v62  }
0x103: {  	v3 =	vand.u32 $0x7, v3  }
0x104: {  	v3 =	vor.u32 v3, v4  }
0x105: {  	v4 =	vperm.xlane v3, v0;
	_ =	sdelay $0x1  }
0x106: {  	v4 =	vadd.s32 v1, v4;
	_ =	sdelay $0x3  }
0x107: {  	s21 =	simm.s32 $0x6200;
	v3 =	vperm.xlane v3, v2  }
0x108: {  	[tilespmem:s21], [sflag:$0x2] =	stream.indirect_vreg.gather [hbm4b:s2+s4], $0x80, v4, vm0, $0xb8;
	[tilespmem:$0x1B200] =	vst v63  }
0x109: {  	v3 =	vadd.s32 v1, v3  }
0x10a: {  	[tilespmem:s8], [sflag:$0x2] =	stream.indirect_vreg.gather [hbm4b:s5+s4], $0x80, v4, vm0, $0xb8;
	[tilespmem:$0x1B200] =	vst v63  }
0x10b: {  	_ = 	snop  }
0x10c: {  	[tilespmem:s11], [sflag:$0x2] =	stream.indirect_vreg.gather [hbm4b:s6+s4], $0x80, v4, vm0, $0xb8;
	[tilespmem:$0x1B200] =	vst v63  }
0x10d: {  	_ = 	snop  }
0x10e: {  	[tilespmem:s14], [sflag:$0x2] =	stream.indirect_vreg.gather [hbm4b:s2+s4], $0x80, v3, vm0, $0xb8;
	[tilespmem:$0x1B200] =	vst v63  }
0x10f: {  	_ = 	snop  }
0x110: {  	[tilespmem:s18], [sflag:$0x2] =	stream.indirect_vreg.gather [hbm4b:s5+s4], $0x80, v3, vm0, $0xb8;
	[tilespmem:$0x1B200] =	vst v63  }
0x111: {  	_ = 	snop  }
0x112: {  	[tilespmem:s10], [sflag:$0x2] =	stream.indirect_vreg.gather [hbm4b:s6+s4], $0x80, v3, vm0, $0xb8;
	[tilespmem:$0x1B200] =	vst v63  }
0x113: {  	v3 =	vld [tilespmem:$0xB0];
	_ =	sdelay $0x4  }
0x114: {  	v63 =	vshrl.u32 v3, $0x3  }
0x115: {  	v4 =	vmul.u32 $0x30, v63  }
0x116: {  	v3 =	vand.u32 $0x7, v3  }
0x117: {  	v3 =	vor.u32 v3, v4  }
0x118: {  	v4 =	vperm.xlane v3, v0;
	_ =	sdelay $0x1  }
0x119: {  	v4 =	vadd.s32 v1, v4;
	_ =	sdelay $0x3  }
0x11a: {  	s19 =	simm.s32 $0x9200;
	v3 =	vperm.xlane v3, v2  }
0x11b: {  	[tilespmem:s19], [sflag:$0x2] =	stream.indirect_vreg.gather [hbm4b:s2+s4], $0x80, v4, vm0, $0xb8;
	[tilespmem:$0x1B200] =	vst v63  }
0x11c: {  	s21 =	simm.s32 $0x9A00;
	v3 =	vadd.s32 v1, v3  }
0x11d: {  	[tilespmem:s21], [sflag:$0x2] =	stream.indirect_vreg.gather [hbm4b:s5+s4], $0x80, v4, vm0, $0xb8;
	[tilespmem:$0x1B200] =	vst v63  }
0x11e: {  	s19 =	simm.s32 $0xA200  }
0x11f: {  	[tilespmem:s19], [sflag:$0x2] =	stream.indirect_vreg.gather [hbm4b:s6+s4], $0x80, v4, vm0, $0xb8;
	[tilespmem:$0x1B200] =	vst v63  }
0x120: {  	s21 =	simm.s32 $0xAA00  }
0x121: {  	[tilespmem:s21], [sflag:$0x2] =	stream.indirect_vreg.gather [hbm4b:s2+s4], $0x80, v3, vm0, $0xb8;
	[tilespmem:$0x1B200] =	vst v63  }
0x122: {  	s19 =	simm.s32 $0xB200  }
0x123: {  	[tilespmem:s19], [sflag:$0x2] =	stream.indirect_vreg.gather [hbm4b:s5+s4], $0x80, v3, vm0, $0xb8;
	[tilespmem:$0x1B200] =	vst v63  }
0x124: {  	s21 =	simm.s32 $0xBA00  }
0x125: {  	[tilespmem:s21], [sflag:$0x2] =	stream.indirect_vreg.gather [hbm4b:s6+s4], $0x80, v3, vm0, $0xb8;
	[tilespmem:$0x1B200] =	vst v63  }
0x126: {  	_ =	swait.ge [sflag:s16], $0x3000  }
0x127: {  	[sflag:s16] =	ssyncset.done $0x0  }
0x128: {  	s0 =	rddreg [dreg:$0x9];
	[sflag:s16] =	ssyncadd.s32 $0xFFFFD000  }
0x129: {  	[hbm4b:s0+s4] =	stream.linear.scatter [tilespmem:s9], [sflag:$0x7], $0x3000, $0x38;
	[tilespmem:$0x1B200] =	vst v63  }
0x12a: {  	_ =	swait.ge [sflag:s13], $0xC000  }
0x12b: {  	[sflag:s13] =	ssyncset.done $0x0  }
0x12c: {  	s21 =	rddreg [dreg:$0xa];
	[sflag:s13] =	ssyncadd.s32 $0xFFFF4000  }
0x12d: {  	[hbm4b:s21+s4] =	stream.linear.scatter [tilespmem:s12], [sflag:$0x4], $0xC000, $0x38;
	[tilespmem:$0x1B200] =	vst v63  }
0x12e: {  	_ =	swait.ge [sflag:s17], $0x3000  }
0x12f: {  	s0 =	sld [smem:$0x7FD]  }
0x130: {  	[sflag:s17] =	ssyncset.done $0x0  }
0x131: {  	[sflag:s17] =	ssyncadd.s32 $0xFFFFD000  }
0x132: {  	[tilespmem:s9], [sflag:$0x6] =	stream.indirect.gather [hbm4b:s20+s1], $0x80, s0, s1, $0xb8;
	[tilespmem:$0x1B200] =	vst v63  }
0x133: {  	_ =	swait.ge [sflag:s16], $0x3000  }
0x134: {  	[sflag:s16] =	ssyncset.done $0x0  }
0x135: {  	s21 =	simm.s32 $0x5;
	s20 =	rddreg [dreg:$0xb];
	[sflag:s16] =	ssyncadd.s32 $0xFFFFD000  }
0x136: {  	[hbm4b:s20+s4] =	stream.linear.scatter [tilespmem:s9], [sflag:$0x7], $0x3000, $0x38;
	[tilespmem:$0x1B200] =	vst v63  }
0x137: {  	_ =	swait.ge [sflag:s21], $0xC000  }
0x138: {  	[sflag:s21] =	ssyncset.done $0x0  }
0x139: {  	[sflag:s21] =	ssyncadd.s32 $0xFFFF4000  }
0x13a: {  	p0 =	sne.s32 s7, $0x1;
	_ =	swait.ge [sflag:s15], $0xC000  }
.Ltmp0:
0x13b: {  	[sflag:s15] =	ssyncset.done $0x0;
	(pc) =	sbr.rel @p0 .LBB2_1-.Ltmp0, $4  }
0x13c: {  	[sflag:s15] =	ssyncadd.s32 $0xFFFF4000  }
0x13d: {  	_ =	swait.ge [sflag:s17], $0x3000  }
0x13e: {  	[sflag:s17] =	ssyncset.done $0x0  }
0x13f: {  	s7 =	sadd.s32 $0xFFFFFFFF, s7;
	[sflag:s17] =	ssyncadd.s32 $0xFFFFD000  }
0x140: {  	_ =	sfence.sel $0x180000  }
0x141: {  	[bflag:$0x0] =	sbarrier.arrive $0xFFFF  }
0x142: {  	_ =	strace $0x90000047  }
0x143: {  	s0 =	stileid.u32;
	[bflag:$0x2] =	sbarrier.arrive $0xFFFF  }
0x144: {  	p0 =	sne.s32 s0, $0x0;
	s0 =	rddreg [dreg:$0x4]  }
0x145: {  	s0 =	sadd.s32 @!p0 $0x100000, s0  }
0x146: {  	[sflag:s0] =	ssyncadd.tile.s32 @!p0 $0x1;
	_ =	shalt  }
.Lfunc_end2:
_tile_overlayer_lowered:
.L_overlay_start_2:
0x147: {  	(tag) =	ssettag $0x2  }
0x148: {  	s0 =	rddreg [dreg:$0x0];
	s2 =	stileid.u32  }
0x149: {  	s1 =	rddreg [dreg:$0x1];
	p0 =	sne.s32 s2, $0x0  }
0x14a: {  	s3 =	rddreg [dreg:$0x2];
	[bflag:$0x3] =	sbarrier.arrive $0xFFFF;
	s2 =	simm.s32 @!p0 $0x1C08  }
0x14b: {  	[timem:s3], [sflag:s2] =	dma.local @!p0 [hbm:s0], s1  }
0x14c: {  	s0 =	simm.s32 @!p0 $0x8  }
0x14d: {  	_ =	swait.ge @!p0 [sflag:s0], s1  }
0x14e: {  	s1 =	ssub.s32 @!p0 $0x0, s1;
	[sflag:s0] =	ssyncset.done @!p0 $0x0  }
0x14f: {  	[sflag:s0] =	ssyncadd.s32 @!p0 s1  }
0x150: {  	[bflag:$0x3] =	sbarrier.arrive $0xFFFF  }
0x151: {  	_ =	shalt  }

// kernel: kernel.9.cloned.1.call-start
scs
__scs_entry_jumppad:
0x0: {  	(pc) =	sbr.rel $0x88, $3  }
0x1: {  	(tag) =	ssettag $0x0;
	lr =	simm.s32 $0x1  }
0x2: {  	[smem:$0x3F97] =	sst lr;
	_ =	strace $0xD0000000  }
0x3: {  	_ = 	snop  }
0x4: {  	_ = 	snop  }
0x5: {  	_ = 	snop  }
0x6: {  	_ = 	snop  }
0x7: {  	_ = 	snop  }
__scs_overlays_trampoline_lowered:
0x8: {  	[smem:$0x3FA6] =	sst s0  }
0x9: {  	[smem:$0x3FA7] =	sst s1  }
0xa: {  	[smem:$0x3FA8] =	sst s2  }
0xb: {  	[smem:$0x3FA9] =	sst s3  }
0xc: {  	[smem:$0x3FAA] =	sst s4  }
0xd: {  	[smem:$0x3FAB] =	sst s5  }
0xe: {  	[smem:$0x3FAC] =	sst s6  }
0xf: {  	[smem:$0x3FAD] =	sst s7  }
0x10: {  	[smem:$0x3FAE] =	sst s8  }
0x11: {  	[smem:$0x3FAF] =	sst s9;
	s0 =	simm.s32 @!p0 $0x0  }
0x12: {  	s1 =	sld [smem:$0x3F95];
	s0 =	simm.s32 @p0 $0x1  }
0x13: {  	[smem:$0x3FB0] =	sst s0;
	s0 =	simm.s32 @!p1 $0x0  }
0x14: {  	s2 =	sld [smem:$0x3F94];
	s0 =	simm.s32 @p1 $0x1  }
0x15: {  	[smem:$0x3FB1] =	sst s0;
	s0 =	simm.s32 @!p2 $0x0  }
0x16: {  	s3 =	sld [smem:$0x3FDB];
	s0 =	simm.s32 @p2 $0x1  }
0x17: {  	s4 =	simm.s32 $0x1BF5;
	[smem:$0x3FB3] =	sst s0  }
0x18: {  	s0 =	sld [smem:$0x3F96];
	_ =	swait.ge [sflag:s4], $0x0  }
0x19: {  	s7 =	sld [smem:$0x3F97]  }
0x1a: {  	s8 =	sadd.s32 $0xFFFFE003, lr  }
0x1b: {  	s9 =	sadd.s32 $0xFFFFFEF7, lr;
	s5 =	simm.s32 $0xFFFFFFFF;
	p2 =	slt.u32 s8, $0xFFFFF086  }
0x1c: {  	p1 =	slt.u32 s9, $0xF7A;
	s5 =	simm.s32 @!p2 $0x0  }
0x1d: {  	s5 =	simm.s32 @p1 $0x1;
	p0 =	seq.s32 s7, s2  }
0x1e: {  	s7 =	smul.u32 @!p0 $0xF7A, s2;
	p2 =	seq.s32 @!p0 s5, $0x0  }
0x1f: {  	s9 =	smul.u32 $0xF7A, s1;
	s8 =	simm.s32 @!p0 $0x1BF5;
	p2 =	por !p2, p0  }
0x20: {  	[sflag:s8] =	ssyncset.s32 @!p0 $0xFFFFF086;
	s6 =	sadd.s32 @!p0 s3, s7;
	s7 =	simm.s32 @!p0 $0x108  }
0x21: {  	s3 =	sadd.s32 s3, s9;
	s6 =	sadd.s32 @!p0 $0x88, s6;
	s7 =	simm.s32 @p2 $0x1082  }
0x22: {  	[simem:s7], [sflag:s8] =	dma.local @!p0 [hbm:s6], $0xF7A  }
0x23: {  	s9 =	sor.u32 $0xD0000000, s2;
	s6 =	simm.s32 $0x108;
	_ =	swait.ge @!p0 [sflag:s8], $0x0  }
0x24: {  	s3 =	sadd.s32 $0x88, s3;
	s6 =	simm.s32 @!p1 $0x1082;
	[sflag:s4] =	ssyncset.s32 $0xFFFFF086  }
0x25: {  	[simem:s6], [sflag:s4] =	dma.local [hbm:s3], $0xF7A  }
0x26: {  	[smem:$0x3F97] =	sst s1;
	(tag) =	ssettag s2;
	_ =	strace s9  }
0x27: {  	s1 =	sld [smem:$0x3FA7]  }
0x28: {  	s2 =	sld [smem:$0x3FA8]  }
0x29: {  	s4 =	sld [smem:$0x3FAA]  }
0x2a: {  	p0 =	seq.s32 s5, $0x0;
	s5 =	sld [smem:$0x3FAB]  }
0x2b: {  	s6 =	sld [smem:$0x3FAC]  }
0x2c: {  	s7 =	sld [smem:$0x3FAD]  }
0x2d: {  	s3 =	simm.s32 $0x108;
	s8 =	sld [smem:$0x3FAE]  }
0x2e: {  	s3 =	simm.s32 @!p0 $0x1082;
	s9 =	sld [smem:$0x3FAF]  }
0x2f: {  	lr =	sadd.s32 s0, s3;
	s0 =	sld [smem:$0x3FA6]  }
0x30: {  	s3 =	sld [smem:$0x3FA9]  }
0x31: {  	[smem:$0x3FB2] =	sst s10  }
0x32: {  	s10 =	sld [smem:$0x3FB0];
	_ =	sdelay $0x3  }
0x33: {  	p0 =	seq.s32 s10, $0x1;
	s10 =	sld [smem:$0x3FB2];
	_ =	sdelay $0x3  }
0x34: {  	[smem:$0x3FB2] =	sst s10  }
0x35: {  	s10 =	sld [smem:$0x3FB1];
	_ =	sdelay $0x3  }
0x36: {  	p1 =	seq.s32 s10, $0x1;
	s10 =	sld [smem:$0x3FB2];
	_ =	sdelay $0x3  }
0x37: {  	[smem:$0x3FB2] =	sst s10  }
0x38: {  	s10 =	sld [smem:$0x3FB3]  }
0x39: {  	_ = 	snop;
	(pc) =	sbr.ind lr, $3  }
0x3a: {  	_ = 	snop  }
0x3b: {  	_ = 	snop  }
0x3c: {  	p2 =	seq.s32 s10, $0x1;
	s10 =	sld [smem:$0x3FB2]  }
0x3d: {  	_ =	shalt  }
0x3e: {  	_ =	shalt  }
0x3f: {  	_ =	shalt  }
0x40: {  	_ =	shalt  }
0x41: {  	_ =	shalt  }
0x42: {  	_ =	shalt  }
0x43: {  	_ =	shalt  }
0x44: {  	_ =	shalt  }
0x45: {  	_ =	shalt  }
0x46: {  	_ =	shalt  }
0x47: {  	_ =	shalt  }
0x48: {  	_ =	shalt  }
0x49: {  	_ =	shalt  }
0x4a: {  	_ =	shalt  }
0x4b: {  	_ =	shalt  }
0x4c: {  	_ =	shalt  }
0x4d: {  	_ =	shalt  }
0x4e: {  	_ =	shalt  }
0x4f: {  	_ =	shalt  }
0x50: {  	_ =	shalt  }
0x51: {  	_ =	shalt  }
0x52: {  	_ =	shalt  }
0x53: {  	_ =	shalt  }
0x54: {  	_ =	shalt  }
0x55: {  	_ =	shalt  }
0x56: {  	_ =	shalt  }
0x57: {  	_ =	shalt  }
0x58: {  	_ =	shalt  }
0x59: {  	_ =	shalt  }
0x5a: {  	_ =	shalt  }
0x5b: {  	_ =	shalt  }
0x5c: {  	_ =	shalt  }
0x5d: {  	_ =	shalt  }
0x5e: {  	_ =	shalt  }
0x5f: {  	_ =	shalt  }
0x60: {  	_ =	shalt  }
0x61: {  	_ =	shalt  }
0x62: {  	_ =	shalt  }
0x63: {  	_ =	shalt  }
0x64: {  	_ =	shalt  }
0x65: {  	_ =	shalt  }
0x66: {  	_ =	shalt  }
0x67: {  	_ =	shalt  }
0x68: {  	_ =	shalt  }
0x69: {  	_ =	shalt  }
0x6a: {  	_ =	shalt  }
0x6b: {  	_ =	shalt  }
0x6c: {  	_ =	shalt  }
0x6d: {  	_ =	shalt  }
0x6e: {  	_ =	shalt  }
0x6f: {  	_ =	shalt  }
0x70: {  	_ =	shalt  }
0x71: {  	_ =	shalt  }
0x72: {  	_ =	shalt  }
0x73: {  	_ =	shalt  }
0x74: {  	_ =	shalt  }
0x75: {  	_ =	shalt  }
0x76: {  	_ =	shalt  }
0x77: {  	_ =	shalt  }
0x78: {  	_ =	shalt  }
0x79: {  	_ =	shalt  }
0x7a: {  	_ =	shalt  }
0x7b: {  	_ =	shalt  }
0x7c: {  	_ =	shalt  }
0x7d: {  	_ =	shalt  }
0x7e: {  	_ =	shalt  }
0x7f: {  	_ =	shalt  }
0x80: {  	_ =	shalt  }
0x81: {  	_ =	shalt  }
0x82: {  	_ =	shalt  }
0x83: {  	_ =	shalt  }
0x84: {  	_ =	shalt  }
0x85: {  	_ =	shalt  }
0x86: {  	_ =	shalt  }
0x87: {  	_ =	shalt  }
.Lfunc_end0:
.L_simem_size_0:
called_computation.1_lowered:
.L_overlay_start_0:
0x88: {  	s2 =	sld [smem:$0x3FD9]  }
0x89: {  	s3 =	sld [smem:$0x3FFE];
	_ =	sdelay $0x1  }
0x8a: {  	s1 =	srdreg.scid  }
0x8b: {  	s0 =	sand.u32 $0x1, s1  }
0x8c: {  	s17 =	sshll.u32 s0, $0xA;
	s2 =	sadd.s32 s3, s2  }
0x8d: {  	s2 =	sadd.s32 s2, s17  }
0x8e: {  	[smem:$0x3FBE] =	sst s2  }
0x8f: {  	_ = 	snop  }
0x90: {  	s18 =	sld [smem:$0x3FC7]  }
0x91: {  	s4 =	sld [smem:$0x3FC6];
	(tm) =	ssettm $0x1  }
0x92: {  	s19 =	sld [smem:$0x3FFB];
	_ =	sdelay $0x3  }
0x93: {  	_ =	strace s19  }
0x94: {  	s2 =	sld [smem:$0x3FFC];
	_ =	sdelay $0x3  }
0x95: {  	_ =	strace s2  }
0x96: {  	s2 =	sld [smem:$0x3FFD];
	_ =	sdelay $0x3  }
0x97: {  	_ =	strace s2  }
0x98: {  	_ =	strace $0x8FFFFFFF  }
0x99: {  	s20 =	sld [smem:$0x3FDB];
	_ =	sdelay $0x1  }
0x9a: {  	s5 =	simm.s32 $_scs_section_size  }
0x9b: {  	s6 =	simm.s32 $_size__tile_overlayer_lowered;
	s7 =	simm.s32 $_tile_overlayer_lowered  }
0x9c: {  	s8 =	simm.s32 $0x1BFF;
	s21 =	sshll.u32 s7, $0x1;
	s5 =	sadd.s32 s5, s20  }
0x9d: {  	s22 =	simm.s32 $0x0;
	s6 =	sshll.u32 s6, $0x1;
	s7 =	sadd.s32 s21, s5  }
0x9e: {  	[timem:s22], [sflag:s8] =	dma.local [hbm:s7], s6  }
0x9f: {  	_ =	swait.ge [sflag:s8], s6  }
0xa0: {  	s6 =	ssub.s32 $0x0, s6;
	[sflag:s8] =	ssyncset.done $0x0  }
0xa1: {  	[sflag:s8] =	ssyncadd.s32 s6;
	_ =	sdelay $0x1  }
0xa2: {  	s23 =	simm.s32 $0x1B8B  }
0xa3: {  	_ =	swait.ge [sflag:s23], $0x1  }
0xa4: {  	[sflag:s23] =	ssyncset.done $0x0  }
0xa5: {  	[sflag:s23] =	ssyncadd.s32 $0xFFFFFFFF  }
0xa6: {  	s6 =	sld [smem:$0x0]  }
0xa7: {  	s7 =	sand.u32 $0xFFFFFFFE, s1  }
0xa8: {  	p0 =	sne.s32 s1, s7  }
0xa9: {  	s7 =	sshll.u32 @p0 s7, $0xE  }
0xaa: {  	s7 =	sadd.s32 @p0 $0x11B8D, s7;
	s8 =	sshll.u32 @p0 s6, $0x11  }
0xab: {  	s7 =	sor.u32 @p0 s8, s7  }
0xac: {  	[sflag:s7] =	ssyncadd.remote.s32 @p0 $0x1;
	_ =	sdelay $0x1  }
0xad: {  	s7 =	simm.s32 @p0 $0x1B8D  }
0xae: {  	_ =	swait.eq @p0 [sflag:s7], $0x1  }
0xaf: {  	[sflag:s7] =	ssyncadd.s32 @p0 $0xFFFFFFFF  }
0xb0: {  	s8 =	sshll.u32 @!p0 s1, $0xE  }
0xb1: {  	s8 =	sor.u32 @!p0 $0x4000, s8;
	s7 =	simm.s32 @!p0 $0x1B8D  }
0xb2: {  	s6 =	sshll.u32 @!p0 s6, $0x11;
	s8 =	sadd.s32 @!p0 $0x11B8D, s8;
	_ =	swait.eq @!p0 [sflag:s7], $0x1  }
0xb3: {  	s6 =	sor.u32 @!p0 s6, s8;
	[sflag:s7] =	ssyncadd.s32 @!p0 $0xFFFFFFFF  }
0xb4: {  	s25 =	simm.s32 $0x1B8E;
	s24 =	sld [smem:$0x3FFE];
	[sflag:s6] =	ssyncadd.remote.s32 @!p0 $0x1  }
0xb5: {  	s26 =	simm.s32 $execute0_lowered;
	[smem:$0x3FD2] =	sst s25  }
0xb6: {  	s7 =	sshll.u32 s26, $0x1;
	_ =	strace $0x80000049;
	[dreg:$0x1] =	wrdreg $0xFFFFFFFF  }
0xb7: {  	s28 =	simm.s32 $_size_execute0_lowered;
	s5 =	sadd.s32 s5, s7;
	[dreg:$0x0] =	wrdreg $0x0  }
0xb8: {  	s7 =	sshll.u32 s28, $0x1;
	[dreg:$0x2] =	wrdreg s5  }
0xb9: {  	[dreg:$0x3] =	wrdreg s7  }
0xba: {  	[dreg:$0x4] =	wrdreg $0xC0  }
0xbb: {  	_ =	task [dreg:s22], $0x5FFFF  }
0xbc: {  	[dreg:$0x1] =	wrdreg $0xFFFFFFFF  }
0xbd: {  	[dreg:$0x0] =	wrdreg $0x60  }
0xbe: {  	[dreg:$0x2] =	wrdreg s24  }
0xbf: {  	[dreg:$0x3] =	wrdreg s18  }
0xc0: {  	[dreg:$0x4] =	wrdreg s4  }
0xc1: {  	[dreg:$0x5] =	wrdreg $0xA  }
0xc2: {  	_ =	task.clear_ibuf [dreg:s22], $0x6FFFF;
	_ =	strace $0x90000049  }
0xc3: {  	s29 =	simm.s32 $0xA;
	_ =	strace $0x8000004B  }
0xc4: {  	_ =	swait.ge [sflag:s29], $0x1  }
0xc5: {  	[sflag:s29] =	ssyncadd.s32 $0xFFFFFFFF  }
0xc6: {  	_ =	strace $0x9000004B  }
0xc7: {  	_ =	sfence  }
0xc8: {  	s30 =	sld [smem:$0x0];
	_ =	sdelay $0x2  }
0xc9: {  	s31 =	sshll.u32 s1, $0xD;
	s1 =	sshrl.u32 s1, $0x2  }
0xca: {  	s4 =	sand.u32 $0x4000, s31;
	s1 =	sadd.s32 s1, s30  }
0xcb: {  	s0 =	sor.u32 s4, s0;
	s1 =	sshll.u32 s1, $0x11  }
0xcc: {  	s0 =	sor.u32 s1, s0  }
0xcd: {  	s0 =	sadd.s32 $0x8F2B, s0  }
0xce: {  	[sflag:s0] =	ssyncadd.remote.s32 $0x1  }
0xcf: {  	_ =	sfence.sel $0xFFFF  }
0xd0: {  	[dreg:$0x0] =	wrdreg $0xFFFFFFFF;
	(pc) =	sbr.abs _section_cstart, $3  }
0xd1: {  	[dreg:$0x1] =	wrdreg $0xFFFFFFFF  }
0xd2: {  	_ =	task.clear_ibuf [dreg:s22], $0x2FFFF;
	_ =	strace $0x9FFFFFFF  }
0xd3: {  	(tm) =	ssettm $0x7FFFFFFF  }
tec
execute0_lowered:
.L_overlay_start_1:
0x0: {  	(tag) =	ssettag $0x1  }
0x1: {  	s1 =	rddreg [dreg:$0x0]  }
0x2: {  	s3 =	srdreg.scid;
	s2 =	rddreg [dreg:$0x1]  }
0x3: {  	s4 =	simm.s32 $0x0;
	s5 =	sand.u32 $0x1, s3;
	s3 =	rddreg [dreg:$0x2]  }
0x4: {  	s14 =	simm.s32 $0x900;
	[smem:$0x7FF] =	sst s4  }
0x5: {  	s15 =	simm.s32 $0x1100;
	_ =	strace $0x8000004A;
	[dreg:$0xa] =	wrdreg s14  }
0x6: {  	s16 =	simm.s32 $0x1900;
	[dreg:$0xb] =	wrdreg s15  }
0x7: {  	s17 =	simm.s32 $0x2100;
	[dreg:$0xc] =	wrdreg s16  }
0x8: {  	s0 =	stileid.u32;
	s18 =	simm.s32 $0x2900;
	[dreg:$0xd] =	wrdreg s17  }
0x9: {  	s20 =	simm.s32 $0x3100;
	s22 =	simm.s32 $0x3900;
	[dreg:$0xe] =	wrdreg s18  }
0xa: {  	s23 =	simm.s32 $0x4100;
	s24 =	simm.s32 $0x4900;
	[dreg:$0xf] =	wrdreg s20  }
0xb: {  	s25 =	simm.s32 $0x5100;
	s26 =	simm.s32 $0x5900;
	[dreg:$0x10] =	wrdreg s22  }
0xc: {  	s28 =	simm.s32 $0x6;
	s29 =	simm.s32 $0x7;
	[dreg:$0x11] =	wrdreg s23  }
0xd: {  	s30 =	simm.s32 $0xA0;
	s31 =	simm.s32 $0x4;
	[dreg:$0x12] =	wrdreg s24  }
0xe: {  	s6 =	sshll.u32 s0, $0x7;
	s9 =	sadd.s32 $0x92600, s1;
	[dreg:$0x13] =	wrdreg s25  }
0xf: {  	s7 =	sshll.u32 s5, $0x6;
	s5 =	ssub.s32 $0x2, s5;
	[dreg:$0x14] =	wrdreg s26  }
0x10: {  	s14 =	simm.s32 $0x7900;
	s15 =	simm.s32 $0x8100;
	s16 =	simm.s32 $0x8900  }
0x11: {  	s17 =	simm.s32 $0x9100;
	s18 =	simm.s32 $0x9900;
	s20 =	simm.s32 $0xA900  }
0x12: {  	s22 =	simm.s32 $0xB900;
	s23 =	simm.s32 $0x20;
	s24 =	simm.s32 $0xC100  }
0x13: {  	s25 =	simm.s32 $0x2;
	s26 =	simm.s32 $0x3;
	s6 =	sor.u32 s7, s6  }
0x14: {  	s19 =	sshrl.u32 s5, $0x1;
	s7 =	sshrl.u32 s6, $0x3;
	s6 =	sshll.u32 s6, $0x4  }
0x15: {  	s21 =	ssub.s32 s5, s19;
	s5 =	sadd.s32 $0x100, s2;
	s19 =	simm.s32 $0xA100  }
0x16: {  	s8 =	sadd.s32 s7, s1;
	s11 =	smul.u32 $0x300, s7;
	s7 =	sor.u32 $0x4, s7  }
0x17: {  	s1 =	sadd.s32 $0xC2600, s1;
	s10 =	sadd.s32 $0x2100, s8;
	s8 =	sadd.s32 $0x2500, s8  }
0x18: {  	s0 =	smul.u32 $0x300, s7;
	s6 =	sadd.s32 s1, s6;
	[dreg:$0x4] =	wrdreg s10  }
0x19: {  	s7 =	sshll.u32 s7, $0x7;
	[dreg:$0x5] =	wrdreg s8;
	s12 =	sadd.s32 s9, s11  }
0x1a: {  	[dreg:$0x8] =	wrdreg s6;
	s1 =	sadd.s32 s1, s7;
	s6 =	sadd.s32 $0x200, s2  }
0x1b: {  	s7 =	smax.u32 s21, $0x1;
	s8 =	simm.s32 $0x80;
	s10 =	simm.s32 $0x100  }
0x1c: {  	v2 =	vlaneseq.u32;
	s11 =	simm.s32 $0x6100;
	s21 =	simm.s32 $0xB100;
	[dreg:$0x6] =	wrdreg s12  }
0x1d: {  	vm0 =	vmmov $0xffff;
	v1 =	vshrl.u32 v2, $0x3;
	s13 =	sadd.s32 s9, s0;
	[dreg:$0x9] =	wrdreg s1;
	s9 =	simm.s32 $0x1  }
0x1e: {  	v0 =	vand.u32 $0x7, v2;
	v2 =	vor.u32 $0x8, v2;
	v1 =	vmul.u32 $0x8, v1;
	s1 =	simm.s32 $0x5;
	[dreg:$0x7] =	wrdreg s13;
	s13 =	simm.s32 $0x7100  }
.LBB2_1:
0x1f: {  	s0 =	rddreg [dreg:$0x4]  }
0x20: {  	[tilespmem:s4], [sflag:$0x1] =	stream.linear.gather [hbm4b:s0+s4], $0x40, $0x38;
	[tilespmem:$0xD100] =	vst v63  }
0x21: {  	s12 =	rddreg [dreg:$0x5]  }
0x22: {  	[tilespmem:s8], [sflag:$0x1] =	stream.linear.gather [hbm4b:s12+s4], $0x40, $0x38;
	[tilespmem:$0xD100] =	vst v63  }
0x23: {  	_ =	swait.ge [sflag:s9], $0x40  }
0x24: {  	[sflag:s9] =	ssyncset.done $0x0  }
0x25: {  	[sflag:s9] =	ssyncadd.s32 $0xFFFFFFC0  }
0x26: {  	_ =	swait.ge [sflag:s9], $0x40  }
0x27: {  	[sflag:s9] =	ssyncset.done $0x0  }
0x28: {  	[sflag:s9] =	ssyncadd.s32 $0xFFFFFFC0  }
0x29: {  	v3 =	vld [tilespmem:$0x0];
	_ =	sdelay $0x4  }
0x2a: {  	v4 =	vshrl.u32 v3, $0x3  }
0x2b: {  	v4 =	vmul.u32 $0x30, v4  }
0x2c: {  	v3 =	vand.u32 $0x7, v3  }
0x2d: {  	v3 =	vor.u32 v3, v4  }
0x2e: {  	v4 =	vperm.xlane v3, v0;
	_ =	sdelay $0x1  }
0x2f: {  	v4 =	vadd.s32 v1, v4;
	_ =	sdelay $0x3  }
0x30: {  	v3 =	vperm.xlane v3, v2  }
0x31: {  	[tilespmem:s10], [sflag:$0x2] =	stream.indirect_vreg.gather [hbm4b:s2+s4], $0x80, v4, vm0, $0xb8;
	[tilespmem:$0xD100] =	vst v63  }
0x32: {  	s0 =	rddreg [dreg:$0xa];
	v3 =	vadd.s32 v1, v3  }
0x33: {  	[tilespmem:s0], [sflag:$0x2] =	stream.indirect_vreg.gather [hbm4b:s5+s4], $0x80, v4, vm0, $0xb8;
	[tilespmem:$0xD100] =	vst v63  }
0x34: {  	s12 =	rddreg [dreg:$0xb]  }
0x35: {  	[tilespmem:s12], [sflag:$0x2] =	stream.indirect_vreg.gather [hbm4b:s6+s4], $0x80, v4, vm0, $0xb8;
	[tilespmem:$0xD100] =	vst v63  }
0x36: {  	s0 =	rddreg [dreg:$0xc]  }
0x37: {  	[tilespmem:s0], [sflag:$0x2] =	stream.indirect_vreg.gather [hbm4b:s2+s4], $0x80, v3, vm0, $0xb8;
	[tilespmem:$0xD100] =	vst v63  }
0x38: {  	s12 =	rddreg [dreg:$0xd]  }
0x39: {  	[tilespmem:s12], [sflag:$0x2] =	stream.indirect_vreg.gather [hbm4b:s5+s4], $0x80, v3, vm0, $0xb8;
	[tilespmem:$0xD100] =	vst v63  }
0x3a: {  	s0 =	rddreg [dreg:$0xe]  }
0x3b: {  	[tilespmem:s0], [sflag:$0x2] =	stream.indirect_vreg.gather [hbm4b:s6+s4], $0x80, v3, vm0, $0xb8;
	[tilespmem:$0xD100] =	vst v63  }
0x3c: {  	v3 =	vld [tilespmem:$0x10];
	_ =	sdelay $0x4  }
0x3d: {  	v61 =	vshrl.u32 v3, $0x3  }
0x3e: {  	v4 =	vmul.u32 $0x30, v61  }
0x3f: {  	v3 =	vand.u32 $0x7, v3  }
0x40: {  	v3 =	vor.u32 v3, v4  }
0x41: {  	v4 =	vperm.xlane v3, v0;
	_ =	sdelay $0x1  }
0x42: {  	v4 =	vadd.s32 v1, v4;
	_ =	sdelay $0x3  }
0x43: {  	s0 =	rddreg [dreg:$0xf];
	v3 =	vperm.xlane v3, v2  }
0x44: {  	[tilespmem:s0], [sflag:$0x2] =	stream.indirect_vreg.gather [hbm4b:s2+s4], $0x80, v4, vm0, $0xb8;
	[tilespmem:$0xD100] =	vst v63  }
0x45: {  	s12 =	rddreg [dreg:$0x10];
	v3 =	vadd.s32 v1, v3  }
0x46: {  	[tilespmem:s12], [sflag:$0x2] =	stream.indirect_vreg.gather [hbm4b:s5+s4], $0x80, v4, vm0, $0xb8;
	[tilespmem:$0xD100] =	vst v63  }
0x47: {  	s0 =	rddreg [dreg:$0x11]  }
0x48: {  	[tilespmem:s0], [sflag:$0x2] =	stream.indirect_vreg.gather [hbm4b:s6+s4], $0x80, v4, vm0, $0xb8;
	[tilespmem:$0xD100] =	vst v63  }
0x49: {  	s12 =	rddreg [dreg:$0x12]  }
0x4a: {  	[tilespmem:s12], [sflag:$0x2] =	stream.indirect_vreg.gather [hbm4b:s2+s4], $0x80, v3, vm0, $0xb8;
	[tilespmem:$0xD100] =	vst v63  }
0x4b: {  	s0 =	rddreg [dreg:$0x13]  }
0x4c: {  	[tilespmem:s0], [sflag:$0x2] =	stream.indirect_vreg.gather [hbm4b:s5+s4], $0x80, v3, vm0, $0xb8;
	[tilespmem:$0xD100] =	vst v63  }
0x4d: {  	s12 =	rddreg [dreg:$0x14]  }
0x4e: {  	[tilespmem:s12], [sflag:$0x2] =	stream.indirect_vreg.gather [hbm4b:s6+s4], $0x80, v3, vm0, $0xb8;
	[tilespmem:$0xD100] =	vst v63  }
0x4f: {  	v3 =	vld [tilespmem:$0x20];
	_ =	sdelay $0x4  }
0x50: {  	v62 =	vshrl.u32 v3, $0x3  }
0x51: {  	v4 =	vmul.u32 $0x30, v62  }
0x52: {  	v3 =	vand.u32 $0x7, v3  }
0x53: {  	v3 =	vor.u32 v3, v4  }
0x54: {  	v4 =	vperm.xlane v3, v0;
	_ =	sdelay $0x1  }
0x55: {  	v4 =	vadd.s32 v1, v4;
	_ =	sdelay $0x3  }
0x56: {  	v3 =	vperm.xlane v3, v2  }
0x57: {  	[tilespmem:s11], [sflag:$0x3] =	stream.indirect_vreg.gather [hbm4b:s2+s4], $0x80, v4, vm0, $0xb8;
	[tilespmem:$0xD100] =	vst v63  }
0x58: {  	s12 =	simm.s32 $0x6900;
	v3 =	vadd.s32 v1, v3  }
0x59: {  	[tilespmem:s12], [sflag:$0x3] =	stream.indirect_vreg.gather [hbm4b:s5+s4], $0x80, v4, vm0, $0xb8;
	[tilespmem:$0xD100] =	vst v63  }
0x5a: {  	_ = 	snop  }
0x5b: {  	[tilespmem:s13], [sflag:$0x3] =	stream.indirect_vreg.gather [hbm4b:s6+s4], $0x80, v4, vm0, $0xb8;
	[tilespmem:$0xD100] =	vst v63  }
0x5c: {  	_ = 	snop  }
0x5d: {  	[tilespmem:s14], [sflag:$0x3] =	stream.indirect_vreg.gather [hbm4b:s2+s4], $0x80, v3, vm0, $0xb8;
	[tilespmem:$0xD100] =	vst v63  }
0x5e: {  	_ = 	snop  }
0x5f: {  	[tilespmem:s15], [sflag:$0x3] =	stream.indirect_vreg.gather [hbm4b:s5+s4], $0x80, v3, vm0, $0xb8;
	[tilespmem:$0xD100] =	vst v63  }
0x60: {  	_ = 	snop  }
0x61: {  	[tilespmem:s16], [sflag:$0x3] =	stream.indirect_vreg.gather [hbm4b:s6+s4], $0x80, v3, vm0, $0xb8;
	[tilespmem:$0xD100] =	vst v63  }
0x62: {  	v3 =	vld [tilespmem:$0x30];
	_ =	sdelay $0x4  }
0x63: {  	v63 =	vshrl.u32 v3, $0x3  }
0x64: {  	v4 =	vmul.u32 $0x30, v63  }
0x65: {  	v3 =	vand.u32 $0x7, v3  }
0x66: {  	v3 =	vor.u32 v3, v4  }
0x67: {  	v4 =	vperm.xlane v3, v0;
	_ =	sdelay $0x1  }
0x68: {  	v4 =	vadd.s32 v1, v4;
	_ =	sdelay $0x3  }
0x69: {  	v3 =	vperm.xlane v3, v2  }
0x6a: {  	[tilespmem:s17], [sflag:$0x3] =	stream.indirect_vreg.gather [hbm4b:s2+s4], $0x80, v4, vm0, $0xb8;
	[tilespmem:$0xD100] =	vst v63  }
0x6b: {  	v3 =	vadd.s32 v1, v3  }
0x6c: {  	[tilespmem:s18], [sflag:$0x3] =	stream.indirect_vreg.gather [hbm4b:s5+s4], $0x80, v4, vm0, $0xb8;
	[tilespmem:$0xD100] =	vst v63  }
0x6d: {  	_ = 	snop  }
0x6e: {  	[tilespmem:s19], [sflag:$0x3] =	stream.indirect_vreg.gather [hbm4b:s6+s4], $0x80, v4, vm0, $0xb8;
	[tilespmem:$0xD100] =	vst v63  }
0x6f: {  	_ = 	snop  }
0x70: {  	[tilespmem:s20], [sflag:$0x3] =	stream.indirect_vreg.gather [hbm4b:s2+s4], $0x80, v3, vm0, $0xb8;
	[tilespmem:$0xD100] =	vst v63  }
0x71: {  	_ = 	snop  }
0x72: {  	[tilespmem:s21], [sflag:$0x3] =	stream.indirect_vreg.gather [hbm4b:s5+s4], $0x80, v3, vm0, $0xb8;
	[tilespmem:$0xD100] =	vst v63  }
0x73: {  	_ = 	snop  }
0x74: {  	[tilespmem:s22], [sflag:$0x3] =	stream.indirect_vreg.gather [hbm4b:s6+s4], $0x80, v3, vm0, $0xb8;
	[tilespmem:$0xD100] =	vst v63  }
0x75: {  	_ = 	snop  }
0x76: {  	[tilespmem:s24], [sflag:$0x6] =	stream.indirect.gather [hbm4b:s3+s23], $0x80, s8, s23, $0xb8;
	[tilespmem:$0xD100] =	vst v63  }
0x77: {  	_ =	swait.ge [sflag:s25], $0x6000  }
0x78: {  	[sflag:s25] =	ssyncset.done $0x0  }
0x79: {  	s12 =	rddreg [dreg:$0x6];
	[sflag:s25] =	ssyncadd.s32 $0xFFFFA000  }
0x7a: {  	[hbm4b:s12+s4] =	stream.linear.scatter [tilespmem:s10], [sflag:$0x4], $0x6000, $0x38;
	[tilespmem:$0xD100] =	vst v63  }
0x7b: {  	_ =	swait.ge [sflag:s26], $0x6000  }
0x7c: {  	[sflag:s26] =	ssyncset.done $0x0  }
0x7d: {  	s12 =	rddreg [dreg:$0x7];
	[sflag:s26] =	ssyncadd.s32 $0xFFFFA000  }
0x7e: {  	[hbm4b:s12+s4] =	stream.linear.scatter [tilespmem:s11], [sflag:$0x5], $0x6000, $0x38;
	[tilespmem:$0xD100] =	vst v63  }
0x7f: {  	_ =	swait.ge [sflag:s28], $0x1000  }
0x80: {  	[sflag:s28] =	ssyncset.done $0x0  }
0x81: {  	s12 =	rddreg [dreg:$0x8];
	[sflag:s28] =	ssyncadd.s32 $0xFFFFF000  }
0x82: {  	[hbm4b:s12+s4] =	stream.linear.scatter [tilespmem:s24], [sflag:$0x7], $0x1000, $0x38;
	[tilespmem:$0xD100] =	vst v63  }
0x83: {  	_ =	swait.ge [sflag:s29], $0x1000  }
0x84: {  	[sflag:s29] =	ssyncset.done $0x0  }
0x85: {  	[sflag:s29] =	ssyncadd.s32 $0xFFFFF000  }
0x86: {  	[tilespmem:s24], [sflag:$0x6] =	stream.indirect.gather [hbm4b:s3+s23], $0x80, s30, s23, $0xb8;
	[tilespmem:$0xD100] =	vst v63  }
0x87: {  	_ =	swait.ge [sflag:s28], $0x1000  }
0x88: {  	[sflag:s28] =	ssyncset.done $0x0  }
0x89: {  	s12 =	rddreg [dreg:$0x9];
	[sflag:s28] =	ssyncadd.s32 $0xFFFFF000  }
0x8a: {  	[hbm4b:s12+s4] =	stream.linear.scatter [tilespmem:s24], [sflag:$0x7], $0x1000, $0x38;
	[tilespmem:$0xD100] =	vst v63  }
0x8b: {  	_ =	swait.ge [sflag:s31], $0x6000  }
0x8c: {  	[sflag:s31] =	ssyncset.done $0x0  }
0x8d: {  	[sflag:s31] =	ssyncadd.s32 $0xFFFFA000  }
0x8e: {  	p0 =	sne.s32 s7, $0x1;
	_ =	swait.ge [sflag:s1], $0x6000  }
.Ltmp0:
0x8f: {  	[sflag:s1] =	ssyncset.done $0x0;
	(pc) =	sbr.rel @p0 .LBB2_1-.Ltmp0, $4  }
0x90: {  	[sflag:s1] =	ssyncadd.s32 $0xFFFFA000  }
0x91: {  	_ =	swait.ge [sflag:s29], $0x1000  }
0x92: {  	[sflag:s29] =	ssyncset.done $0x0  }
0x93: {  	s7 =	sadd.s32 $0xFFFFFFFF, s7;
	[sflag:s29] =	ssyncadd.s32 $0xFFFFF000  }
0x94: {  	_ =	sfence.sel $0x180000  }
0x95: {  	[bflag:$0x0] =	sbarrier.arrive $0xFFFF  }
0x96: {  	_ =	strace $0x9000004A  }
0x97: {  	s0 =	stileid.u32;
	[bflag:$0x2] =	sbarrier.arrive $0xFFFF  }
0x98: {  	p0 =	sne.s32 s0, $0x0;
	s0 =	rddreg [dreg:$0x3]  }
0x99: {  	s0 =	sadd.s32 @!p0 $0x100000, s0  }
0x9a: {  	[sflag:s0] =	ssyncadd.tile.s32 @!p0 $0x1;
	_ =	shalt  }
.Lfunc_end2:
_tile_overlayer_lowered:
.L_overlay_start_2:
0x9b: {  	(tag) =	ssettag $0x2  }
0x9c: {  	s0 =	rddreg [dreg:$0x0];
	s2 =	stileid.u32  }
0x9d: {  	s1 =	rddreg [dreg:$0x1];
	p0 =	sne.s32 s2, $0x0  }
0x9e: {  	s3 =	rddreg [dreg:$0x2];
	[bflag:$0x3] =	sbarrier.arrive $0xFFFF;
	s2 =	simm.s32 @!p0 $0x1C08  }
0x9f: {  	[timem:s3], [sflag:s2] =	dma.local @!p0 [hbm:s0], s1  }
0xa0: {  	s0 =	simm.s32 @!p0 $0x8  }
0xa1: {  	_ =	swait.ge @!p0 [sflag:s0], s1  }
0xa2: {  	s1 =	ssub.s32 @!p0 $0x0, s1;
	[sflag:s0] =	ssyncset.done @!p0 $0x0  }
0xa3: {  	[sflag:s0] =	ssyncadd.s32 @!p0 s1  }
0xa4: {  	[bflag:$0x3] =	sbarrier.arrive $0xFFFF  }
0xa5: {  	_ =	shalt  }

</sc_bundles>
